<compile_context>
chip_gen: v7x
topology: tpu7x:2x2x1
jax: 0.10.2.dev20260603
libtpu: 0.0.44.dev20260713+nightly
codegen_flags: <defaults>
</compile_context>

<pallas_src>
import jax
import jax.numpy as jnp
from jax import lax
from jax.experimental import pallas as pl
from jax.experimental.pallas import tpu as pltpu
from jax.experimental.pallas import tpu_sc as plsc

NB = 12
B = 64
K = 1024
G = 128
NC = 2
NS = 16
NW = NC * NS
BPW = B // NW
L = 16
GROUPS = K // L

_LN2 = 0.6931471805599453
_INV_DELTA = float(NB) / 3.141592653589793

_C = (2.5546730196161803e-07, 0.999967080943859, -0.49928504912250304,
      0.32722571497347896, -0.22316586411879943, 0.13083342798333364,
      -0.05243753706703084, 0.010009289617861138)


def _log_f32(x):
    xi = plsc.bitcast(x, jnp.int32)
    e = (xi >> 23) - 127
    f = plsc.bitcast((xi & 0x007FFFFF) | 0x3F800000, jnp.float32) - 1.0
    f2 = f * f
    f4 = f2 * f2
    q0 = (_C[0] + _C[1] * f) + (_C[2] + _C[3] * f) * f2
    q1 = (_C[4] + _C[5] * f) + (_C[6] + _C[7] * f) * f2
    return e.astype(jnp.float32) * _LN2 + (q0 + q1 * f4)


def _tree(fn, xs):
    xs = list(xs)
    while len(xs) > 1:
        nxt = [fn(xs[i], xs[i + 1]) for i in range(0, len(xs) - 1, 2)]
        if len(xs) % 2:
            nxt.append(xs[-1])
        xs = nxt
    return xs[0]


UNROLL = 8


def _sc_body(scores_hbm, resid_hbm, cls_hbm, rlab_hbm, oa_hbm, obj_hbm,
             out_hbm, scores_v0, resid_v0, scores_v1, resid_v1,
             cls_v, rlab_v, oa_v, obj_v, stage_v, sem0, sem1):
    wid = lax.axis_index("s") * NC + lax.axis_index("c")
    iota16 = lax.iota(jnp.int32, L)
    b0 = wid * BPW

    cp0s = pltpu.async_copy(scores_hbm.at[:, b0], scores_v0, sem0)
    cp0r = pltpu.async_copy(resid_hbm.at[:, b0], resid_v0, sem0)
    pltpu.sync_copy(cls_hbm.at[pl.ds(b0, BPW)], cls_v)
    pltpu.sync_copy(rlab_hbm.at[pl.ds(b0, BPW)], rlab_v)
    pltpu.sync_copy(oa_hbm.at[pl.ds(b0, BPW)], oa_v)
    pltpu.sync_copy(obj_hbm.at[pl.ds(b0, BPW)], obj_v)
    cp1s = pltpu.async_copy(scores_hbm.at[:, b0 + 1], scores_v1, sem1)
    cp1r = pltpu.async_copy(resid_hbm.at[:, b0 + 1], resid_v1, sem1)

    acc = (jnp.zeros((L,), jnp.float32),
           jnp.zeros((L,), jnp.float32),
           jnp.zeros((L,), jnp.float32))

    for b_local in range(BPW):
        scores_v = (scores_v0, scores_v1)[b_local]
        resid_v = (resid_v0, resid_v1)[b_local]
        if b_local == 0:
            cp0s.wait()
            cp0r.wait()
        else:
            cp1s.wait()
            cp1r.wait()

        @plsc.parallel_loop(0, GROUPS, 1, unroll=UNROLL, carry=acc)
        def acc(g, carry):
            acc_ce, acc_hu, acc_obj = carry
            base = g * L
            oa = oa_v[b_local, pl.ds(base, L)]
            obj = obj_v[b_local, pl.ds(base, L)].astype(jnp.float32)
            hcl = plsc.load_gather(cls_v, [jnp.full((L,), b_local, jnp.int32), oa])
            rows = base + iota16
            svals = [scores_v[j, pl.ds(base, L)] for j in range(NB)]
            m = _tree(jnp.maximum, svals)
            se = _tree(jnp.add, [jnp.exp(s - m) for s in svals])
            lse = _log_f32(se) + m
            s_h = plsc.load_gather(scores_v, [hcl, rows])
            ce = lse - s_h
            hrl = plsc.load_gather(
                rlab_v, [jnp.full((L,), b_local, jnp.int32), oa]) * _INV_DELTA
            rn = plsc.load_gather(resid_v, [hcl, rows])
            err = rn - hrl
            ae = jnp.abs(err)
            q = jnp.minimum(ae, 1.0)
            hub = 0.5 * q * q + (ae - q)
            return (acc_ce + ce * obj, acc_hu + hub * obj, acc_obj + obj)

    stage_v[pl.ds(0, L)] = acc[0]
    stage_v[pl.ds(L, L)] = acc[1]
    stage_v[pl.ds(2 * L, L)] = acc[2]
    pltpu.sync_copy(stage_v, out_hbm.at[wid])


@jax.jit
def kernel(heading_class_label, heading_scores, heading_residual_label,
           heading_residuals_normalized, object_assignment, objectness_label):
    scores_t = jnp.transpose(heading_scores, (2, 0, 1))
    resid_t = jnp.transpose(heading_residuals_normalized, (2, 0, 1))

    mesh = plsc.VectorSubcoreMesh(core_axis_name="c", subcore_axis_name="s",
                                  num_cores=NC, num_subcores=NS)
    partials = pl.kernel(
        _sc_body,
        out_type=jax.ShapeDtypeStruct((NW, 3 * L), jnp.float32),
        mesh=mesh,
        compiler_params=pltpu.CompilerParams(needs_layout_passes=False),
        scratch_types=[
            pltpu.VMEM((NB, K), jnp.float32),
            pltpu.VMEM((NB, K), jnp.float32),
            pltpu.VMEM((NB, K), jnp.float32),
            pltpu.VMEM((NB, K), jnp.float32),
            pltpu.VMEM((BPW, G), jnp.int32),
            pltpu.VMEM((BPW, G), jnp.float32),
            pltpu.VMEM((BPW, K), jnp.int32),
            pltpu.VMEM((BPW, K), jnp.int32),
            pltpu.VMEM((3 * L,), jnp.float32),
            pltpu.SemaphoreType.DMA,
            pltpu.SemaphoreType.DMA,
        ],
    )(scores_t, resid_t,
      heading_class_label, heading_residual_label,
      object_assignment, objectness_label)

    sums = partials.reshape(NW, 3, L).sum(axis=(0, 2))
    denom = sums[2] + 1e-6
    return (sums[0] / denom, sums[1] / denom)

# --- scband reference (transcript-rebuilt; emitter-appended) ---
"""Pipeline reference for scband-head-loss-9740985827849 (READ-ONLY COPY).

The authoritative reference and input builder live on the scoring server;
editing this copy changes nothing except your own understanding.
"""

import jax, jax.numpy as jnp
import numpy as np

NUM_HEADING_BIN = 12


def huber_loss(error, delta=1.0):
    abs_error = jnp.abs(error)
    quadratic = jnp.minimum(abs_error, delta)
    linear = abs_error - quadratic
    return 0.5 * quadratic ** 2 + delta * linear


def setup_inputs(seed: int = 0) -> dict:
    key = jax.random.key(seed)
    k1, k2, k3, k4, k5, k6 = jax.random.split(key, 6)
    B, K, G, NB = 64, 1024, 128, NUM_HEADING_BIN
    return {
        "heading_class_label": jax.random.randint(k1, (B, G), 0, NB),
        "heading_scores": jax.random.normal(k2, (B, K, NB), dtype=jnp.float32),
        "heading_residual_label": jax.random.normal(k3, (B, G), dtype=jnp.float32),
        "heading_residuals_normalized": jax.random.normal(k4, (B, K, NB), dtype=jnp.float32),
        "object_assignment": jax.random.randint(k5, (B, K), 0, G),
        "objectness_label": jax.random.randint(k6, (B, K), 0, 2),
    }


def reference(heading_class_label, heading_scores, heading_residual_label,
              heading_residuals_normalized, object_assignment, objectness_label):
    obj = objectness_label.astype(jnp.float32)
    # gather gt heading class per proposal
    hcl = jnp.take_along_axis(heading_class_label, object_assignment, axis=1)  # [B, K]
    # cross entropy per element (reduction='none')
    logp = jax.nn.log_softmax(heading_scores, axis=-1)  # [B, K, NB]
    ce = -jnp.take_along_axis(logp, hcl[..., None], axis=-1)[..., 0]  # [B, K]
    heading_class_loss = jnp.sum(ce * obj) / (jnp.sum(obj) + 1e-6)
    # residual branch
    hrl = jnp.take_along_axis(heading_residual_label, object_assignment, axis=1)  # [B, K]
    heading_residual_normalized_label = hrl / (np.pi / NUM_HEADING_BIN)
    one_hot = jax.nn.one_hot(hcl, NUM_HEADING_BIN, dtype=jnp.float32)  # [B, K, NB]
    err = jnp.sum(heading_residuals_normalized * one_hot, axis=-1) - heading_residual_normalized_label
    heading_residual_normalized_loss = jnp.sum(huber_loss(err, 1.0) * obj) / (jnp.sum(obj) + 1e-6)
    return (heading_class_loss, heading_residual_normalized_loss)

if __name__ == "__main__":
    import jax
    _d = setup_inputs()
    print(jax.jit(kernel)(*tuple(_d.values())))

</pallas_src>

<mosaic_0001>
#map = affine_map<(d0, d1) -> (0, 0, 0)>
#map1 = affine_map<(d0, d1) -> (0, 0)>
module attributes {stable_mosaic.version = 14 : i64} {
  func.func @_sc_body(%arg0: i32, %arg1: i32, %arg2: memref<12x64x1024xf32, #tpu.memory_space<hbm>>, %arg3: memref<12x64x1024xf32, #tpu.memory_space<hbm>>, %arg4: memref<64x128xi32, #tpu.memory_space<hbm>>, %arg5: memref<64x128xf32, #tpu.memory_space<hbm>>, %arg6: memref<64x1024xi32, #tpu.memory_space<hbm>>, %arg7: memref<64x1024xi32, #tpu.memory_space<hbm>>, %arg8: memref<32x48xf32, #tpu.memory_space<hbm>>, %arg9: memref<12x1024xf32, #tpu.memory_space<vmem>>, %arg10: memref<12x1024xf32, #tpu.memory_space<vmem>>, %arg11: memref<12x1024xf32, #tpu.memory_space<vmem>>, %arg12: memref<12x1024xf32, #tpu.memory_space<vmem>>, %arg13: memref<2x128xi32, #tpu.memory_space<vmem>>, %arg14: memref<2x128xf32, #tpu.memory_space<vmem>>, %arg15: memref<2x1024xi32, #tpu.memory_space<vmem>>, %arg16: memref<2x1024xi32, #tpu.memory_space<vmem>>, %arg17: memref<48xf32, #tpu.memory_space<vmem>>, %arg18: memref<!tpu.dma_semaphore, #tpu.memory_space<semaphore_mem>>, %arg19: memref<!tpu.dma_semaphore, #tpu.memory_space<semaphore_mem>>) attributes {dimension_semantics = [#tpu.dimension_semantics<core_parallel>, #tpu.dimension_semantics<subcore_parallel>], iteration_bounds = array<i64: 2, 16>, scalar_prefetch = 0 : i64, scratch_operands = 11 : i64, tpu.core_type = #tpu.core_type<sc_vector_subcore>, window_params = [{transform_indices = #map}, {transform_indices = #map}, {transform_indices = #map1}, {transform_indices = #map1}, {transform_indices = #map1}, {transform_indices = #map1}, {transform_indices = #map1}]} {
    %mul3A = arith.constant 2 : i32
    %mul3A_0 = arith.muli %arg1, %mul3A : i32
    %add3A = arith.addi %mul3A_0, %arg0 : i32
    %iota3A = tpu.iota {dimensions = array<i32: 0>} : vector<16xi32>
    %mul3A_1 = arith.constant 2 : i32
    %mul3A_2 = arith.muli %add3A, %mul3A_1 : i32
    %dma_start3A = arith.constant 0 : i32
    %dma_start3A_3 = arith.constant 0 : i32
    %dma_start3A_4 = tpu.memref_slice %arg2[%dma_start3A, %mul3A_2, %dma_start3A_3] : memref<12x64x1024xf32, #tpu.memory_space<hbm>> -> memref<12x1x1024xf32, #tpu.memory_space<hbm>>
    %dma_start3A_5 = tpu.memref_squeeze %dma_start3A_4 : memref<12x1x1024xf32, #tpu.memory_space<hbm>> -> memref<12x1024xf32, #tpu.memory_space<hbm>>
    %dma_start3A_6 = arith.constant 0 : i32
    %dma_start3A_7 = arith.constant 0 : i32
    %dma_start3A_8 = tpu.memref_slice %arg2[%dma_start3A_6, %mul3A_2, %dma_start3A_7] : memref<12x64x1024xf32, #tpu.memory_space<hbm>> -> memref<12x1x1024xf32, #tpu.memory_space<hbm>>
    %dma_start3A_9 = tpu.memref_squeeze %dma_start3A_8 : memref<12x1x1024xf32, #tpu.memory_space<hbm>> -> memref<12x1024xf32, #tpu.memory_space<hbm>>
    tpu.enqueue_dma source(%dma_start3A_9 : memref<12x1024xf32, #tpu.memory_space<hbm>>) target(%arg9 : memref<12x1024xf32, #tpu.memory_space<vmem>>) target_semaphore(%arg18 : memref<!tpu.dma_semaphore, #tpu.memory_space<semaphore_mem>>)
    %dma_start3A_10 = arith.constant 0 : i32
    %dma_start3A_11 = arith.constant 0 : i32
    %dma_start3A_12 = tpu.memref_slice %arg3[%dma_start3A_10, %mul3A_2, %dma_start3A_11] : memref<12x64x1024xf32, #tpu.memory_space<hbm>> -> memref<12x1x1024xf32, #tpu.memory_space<hbm>>
    %dma_start3A_13 = tpu.memref_squeeze %dma_start3A_12 : memref<12x1x1024xf32, #tpu.memory_space<hbm>> -> memref<12x1024xf32, #tpu.memory_space<hbm>>
    %dma_start3A_14 = arith.constant 0 : i32
    %dma_start3A_15 = arith.constant 0 : i32
    %dma_start3A_16 = tpu.memref_slice %arg3[%dma_start3A_14, %mul3A_2, %dma_start3A_15] : memref<12x64x1024xf32, #tpu.memory_space<hbm>> -> memref<12x1x1024xf32, #tpu.memory_space<hbm>>
    %dma_start3A_17 = tpu.memref_squeeze %dma_start3A_16 : memref<12x1x1024xf32, #tpu.memory_space<hbm>> -> memref<12x1024xf32, #tpu.memory_space<hbm>>
    tpu.enqueue_dma source(%dma_start3A_17 : memref<12x1024xf32, #tpu.memory_space<hbm>>) target(%arg10 : memref<12x1024xf32, #tpu.memory_space<vmem>>) target_semaphore(%arg18 : memref<!tpu.dma_semaphore, #tpu.memory_space<semaphore_mem>>)
    "tpu.region"() ({
      %run_scoped3A = tpu.sem_alloc : memref<!tpu.dma_semaphore, #tpu.memory_space<semaphore_mem>>
      %dma_start3A_86 = arith.constant 0 : i32
      %dma_start3A_87 = tpu.memref_slice %arg4[%mul3A_2, %dma_start3A_86] : memref<64x128xi32, #tpu.memory_space<hbm>> -> memref<2x128xi32, #tpu.memory_space<hbm>>
      %dma_start3A_88 = arith.constant 0 : i32
      %dma_start3A_89 = tpu.memref_slice %arg4[%mul3A_2, %dma_start3A_88] : memref<64x128xi32, #tpu.memory_space<hbm>> -> memref<2x128xi32, #tpu.memory_space<hbm>>
      tpu.enqueue_dma source(%dma_start3A_89 : memref<2x128xi32, #tpu.memory_space<hbm>>) target(%arg13 : memref<2x128xi32, #tpu.memory_space<vmem>>) target_semaphore(%run_scoped3A : memref<!tpu.dma_semaphore, #tpu.memory_space<semaphore_mem>>)
      %dma_wait3A_90 = arith.constant 0 : i32
      %dma_wait3A_91 = tpu.memref_slice %arg4[%mul3A_2, %dma_wait3A_90] : memref<64x128xi32, #tpu.memory_space<hbm>> -> memref<2x128xi32, #tpu.memory_space<hbm>>
      %dma_wait3A_92 = arith.constant 0 : i32
      %dma_wait3A_93 = tpu.memref_slice %arg4[%mul3A_2, %dma_wait3A_92] : memref<64x128xi32, #tpu.memory_space<hbm>> -> memref<2x128xi32, #tpu.memory_space<hbm>>
      tpu.wait_dma2 semaphore(%run_scoped3A : memref<!tpu.dma_semaphore, #tpu.memory_space<semaphore_mem>>) src(%dma_wait3A_93 : memref<2x128xi32, #tpu.memory_space<hbm>>) dst(%arg13 : memref<2x128xi32, #tpu.memory_space<vmem>>)
      tpu.yield
    }) : () -> ()
    "tpu.region"() ({
      %run_scoped3A = tpu.sem_alloc : memref<!tpu.dma_semaphore, #tpu.memory_space<semaphore_mem>>
      %dma_start3A_86 = arith.constant 0 : i32
      %dma_start3A_87 = tpu.memref_slice %arg5[%mul3A_2, %dma_start3A_86] : memref<64x128xf32, #tpu.memory_space<hbm>> -> memref<2x128xf32, #tpu.memory_space<hbm>>
      %dma_start3A_88 = arith.constant 0 : i32
      %dma_start3A_89 = tpu.memref_slice %arg5[%mul3A_2, %dma_start3A_88] : memref<64x128xf32, #tpu.memory_space<hbm>> -> memref<2x128xf32, #tpu.memory_space<hbm>>
      tpu.enqueue_dma source(%dma_start3A_89 : memref<2x128xf32, #tpu.memory_space<hbm>>) target(%arg14 : memref<2x128xf32, #tpu.memory_space<vmem>>) target_semaphore(%run_scoped3A : memref<!tpu.dma_semaphore, #tpu.memory_space<semaphore_mem>>)
      %dma_wait3A_90 = arith.constant 0 : i32
      %dma_wait3A_91 = tpu.memref_slice %arg5[%mul3A_2, %dma_wait3A_90] : memref<64x128xf32, #tpu.memory_space<hbm>> -> memref<2x128xf32, #tpu.memory_space<hbm>>
      %dma_wait3A_92 = arith.constant 0 : i32
      %dma_wait3A_93 = tpu.memref_slice %arg5[%mul3A_2, %dma_wait3A_92] : memref<64x128xf32, #tpu.memory_space<hbm>> -> memref<2x128xf32, #tpu.memory_space<hbm>>
      tpu.wait_dma2 semaphore(%run_scoped3A : memref<!tpu.dma_semaphore, #tpu.memory_space<semaphore_mem>>) src(%dma_wait3A_93 : memref<2x128xf32, #tpu.memory_space<hbm>>) dst(%arg14 : memref<2x128xf32, #tpu.memory_space<vmem>>)
      tpu.yield
    }) : () -> ()
    "tpu.region"() ({
      %run_scoped3A = tpu.sem_alloc : memref<!tpu.dma_semaphore, #tpu.memory_space<semaphore_mem>>
      %dma_start3A_86 = arith.constant 0 : i32
      %dma_start3A_87 = tpu.memref_slice %arg6[%mul3A_2, %dma_start3A_86] : memref<64x1024xi32, #tpu.memory_space<hbm>> -> memref<2x1024xi32, #tpu.memory_space<hbm>>
      %dma_start3A_88 = arith.constant 0 : i32
      %dma_start3A_89 = tpu.memref_slice %arg6[%mul3A_2, %dma_start3A_88] : memref<64x1024xi32, #tpu.memory_space<hbm>> -> memref<2x1024xi32, #tpu.memory_space<hbm>>
      tpu.enqueue_dma source(%dma_start3A_89 : memref<2x1024xi32, #tpu.memory_space<hbm>>) target(%arg15 : memref<2x1024xi32, #tpu.memory_space<vmem>>) target_semaphore(%run_scoped3A : memref<!tpu.dma_semaphore, #tpu.memory_space<semaphore_mem>>)
      %dma_wait3A_90 = arith.constant 0 : i32
      %dma_wait3A_91 = tpu.memref_slice %arg6[%mul3A_2, %dma_wait3A_90] : memref<64x1024xi32, #tpu.memory_space<hbm>> -> memref<2x1024xi32, #tpu.memory_space<hbm>>
      %dma_wait3A_92 = arith.constant 0 : i32
      %dma_wait3A_93 = tpu.memref_slice %arg6[%mul3A_2, %dma_wait3A_92] : memref<64x1024xi32, #tpu.memory_space<hbm>> -> memref<2x1024xi32, #tpu.memory_space<hbm>>
      tpu.wait_dma2 semaphore(%run_scoped3A : memref<!tpu.dma_semaphore, #tpu.memory_space<semaphore_mem>>) src(%dma_wait3A_93 : memref<2x1024xi32, #tpu.memory_space<hbm>>) dst(%arg15 : memref<2x1024xi32, #tpu.memory_space<vmem>>)
      tpu.yield
    }) : () -> ()
    "tpu.region"() ({
      %run_scoped3A = tpu.sem_alloc : memref<!tpu.dma_semaphore, #tpu.memory_space<semaphore_mem>>
      %dma_start3A_86 = arith.constant 0 : i32
      %dma_start3A_87 = tpu.memref_slice %arg7[%mul3A_2, %dma_start3A_86] : memref<64x1024xi32, #tpu.memory_space<hbm>> -> memref<2x1024xi32, #tpu.memory_space<hbm>>
      %dma_start3A_88 = arith.constant 0 : i32
      %dma_start3A_89 = tpu.memref_slice %arg7[%mul3A_2, %dma_start3A_88] : memref<64x1024xi32, #tpu.memory_space<hbm>> -> memref<2x1024xi32, #tpu.memory_space<hbm>>
      tpu.enqueue_dma source(%dma_start3A_89 : memref<2x1024xi32, #tpu.memory_space<hbm>>) target(%arg16 : memref<2x1024xi32, #tpu.memory_space<vmem>>) target_semaphore(%run_scoped3A : memref<!tpu.dma_semaphore, #tpu.memory_space<semaphore_mem>>)
      %dma_wait3A_90 = arith.constant 0 : i32
      %dma_wait3A_91 = tpu.memref_slice %arg7[%mul3A_2, %dma_wait3A_90] : memref<64x1024xi32, #tpu.memory_space<hbm>> -> memref<2x1024xi32, #tpu.memory_space<hbm>>
      %dma_wait3A_92 = arith.constant 0 : i32
      %dma_wait3A_93 = tpu.memref_slice %arg7[%mul3A_2, %dma_wait3A_92] : memref<64x1024xi32, #tpu.memory_space<hbm>> -> memref<2x1024xi32, #tpu.memory_space<hbm>>
      tpu.wait_dma2 semaphore(%run_scoped3A : memref<!tpu.dma_semaphore, #tpu.memory_space<semaphore_mem>>) src(%dma_wait3A_93 : memref<2x1024xi32, #tpu.memory_space<hbm>>) dst(%arg16 : memref<2x1024xi32, #tpu.memory_space<vmem>>)
      tpu.yield
    }) : () -> ()
    %add3A_18 = arith.constant 1 : i32
    %add3A_19 = arith.addi %mul3A_2, %add3A_18 : i32
    %dma_start3A_20 = arith.constant 0 : i32
    %dma_start3A_21 = arith.constant 0 : i32
    %dma_start3A_22 = tpu.memref_slice %arg2[%dma_start3A_20, %add3A_19, %dma_start3A_21] : memref<12x64x1024xf32, #tpu.memory_space<hbm>> -> memref<12x1x1024xf32, #tpu.memory_space<hbm>>
    %dma_start3A_23 = tpu.memref_squeeze %dma_start3A_22 : memref<12x1x1024xf32, #tpu.memory_space<hbm>> -> memref<12x1024xf32, #tpu.memory_space<hbm>>
    %dma_start3A_24 = arith.constant 0 : i32
    %dma_start3A_25 = arith.constant 0 : i32
    %dma_start3A_26 = tpu.memref_slice %arg2[%dma_start3A_24, %add3A_19, %dma_start3A_25] : memref<12x64x1024xf32, #tpu.memory_space<hbm>> -> memref<12x1x1024xf32, #tpu.memory_space<hbm>>
    %dma_start3A_27 = tpu.memref_squeeze %dma_start3A_26 : memref<12x1x1024xf32, #tpu.memory_space<hbm>> -> memref<12x1024xf32, #tpu.memory_space<hbm>>
    tpu.enqueue_dma source(%dma_start3A_27 : memref<12x1024xf32, #tpu.memory_space<hbm>>) target(%arg11 : memref<12x1024xf32, #tpu.memory_space<vmem>>) target_semaphore(%arg19 : memref<!tpu.dma_semaphore, #tpu.memory_space<semaphore_mem>>)
    %add3A_28 = arith.constant 1 : i32
    %add3A_29 = arith.addi %mul3A_2, %add3A_28 : i32
    %dma_start3A_30 = arith.constant 0 : i32
    %dma_start3A_31 = arith.constant 0 : i32
    %dma_start3A_32 = tpu.memref_slice %arg3[%dma_start3A_30, %add3A_29, %dma_start3A_31] : memref<12x64x1024xf32, #tpu.memory_space<hbm>> -> memref<12x1x1024xf32, #tpu.memory_space<hbm>>
    %dma_start3A_33 = tpu.memref_squeeze %dma_start3A_32 : memref<12x1x1024xf32, #tpu.memory_space<hbm>> -> memref<12x1024xf32, #tpu.memory_space<hbm>>
    %dma_start3A_34 = arith.constant 0 : i32
    %dma_start3A_35 = arith.constant 0 : i32
    %dma_start3A_36 = tpu.memref_slice %arg3[%dma_start3A_34, %add3A_29, %dma_start3A_35] : memref<12x64x1024xf32, #tpu.memory_space<hbm>> -> memref<12x1x1024xf32, #tpu.memory_space<hbm>>
    %dma_start3A_37 = tpu.memref_squeeze %dma_start3A_36 : memref<12x1x1024xf32, #tpu.memory_space<hbm>> -> memref<12x1024xf32, #tpu.memory_space<hbm>>
    tpu.enqueue_dma source(%dma_start3A_37 : memref<12x1024xf32, #tpu.memory_space<hbm>>) target(%arg12 : memref<12x1024xf32, #tpu.memory_space<vmem>>) target_semaphore(%arg19 : memref<!tpu.dma_semaphore, #tpu.memory_space<semaphore_mem>>)
    %broadcast_in_dim3A = arith.constant 0.000000e+00 : f32
    %broadcast_in_dim3A_38 = vector.broadcast %broadcast_in_dim3A : f32 to vector<16xf32>
    %broadcast_in_dim3A_39 = arith.constant 0.000000e+00 : f32
    %broadcast_in_dim3A_40 = vector.broadcast %broadcast_in_dim3A_39 : f32 to vector<16xf32>
    %broadcast_in_dim3A_41 = arith.constant 0.000000e+00 : f32
    %broadcast_in_dim3A_42 = vector.broadcast %broadcast_in_dim3A_41 : f32 to vector<16xf32>
    %dma_wait3A = arith.constant 0 : i32
    %dma_wait3A_43 = arith.constant 0 : i32
    %dma_wait3A_44 = tpu.memref_slice %arg2[%dma_wait3A, %mul3A_2, %dma_wait3A_43] : memref<12x64x1024xf32, #tpu.memory_space<hbm>> -> memref<12x1x1024xf32, #tpu.memory_space<hbm>>
    %dma_wait3A_45 = tpu.memref_squeeze %dma_wait3A_44 : memref<12x1x1024xf32, #tpu.memory_space<hbm>> -> memref<12x1024xf32, #tpu.memory_space<hbm>>
    %dma_wait3A_46 = arith.constant 0 : i32
    %dma_wait3A_47 = arith.constant 0 : i32
    %dma_wait3A_48 = tpu.memref_slice %arg2[%dma_wait3A_46, %mul3A_2, %dma_wait3A_47] : memref<12x64x1024xf32, #tpu.memory_space<hbm>> -> memref<12x1x1024xf32, #tpu.memory_space<hbm>>
    %dma_wait3A_49 = tpu.memref_squeeze %dma_wait3A_48 : memref<12x1x1024xf32, #tpu.memory_space<hbm>> -> memref<12x1024xf32, #tpu.memory_space<hbm>>
    tpu.wait_dma2 semaphore(%arg18 : memref<!tpu.dma_semaphore, #tpu.memory_space<semaphore_mem>>) src(%dma_wait3A_49 : memref<12x1024xf32, #tpu.memory_space<hbm>>) dst(%arg9 : memref<12x1024xf32, #tpu.memory_space<vmem>>)
    %dma_wait3A_50 = arith.constant 0 : i32
    %dma_wait3A_51 = arith.constant 0 : i32
    %dma_wait3A_52 = tpu.memref_slice %arg3[%dma_wait3A_50, %mul3A_2, %dma_wait3A_51] : memref<12x64x1024xf32, #tpu.memory_space<hbm>> -> memref<12x1x1024xf32, #tpu.memory_space<hbm>>
    %dma_wait3A_53 = tpu.memref_squeeze %dma_wait3A_52 : memref<12x1x1024xf32, #tpu.memory_space<hbm>> -> memref<12x1024xf32, #tpu.memory_space<hbm>>
    %dma_wait3A_54 = arith.constant 0 : i32
    %dma_wait3A_55 = arith.constant 0 : i32
    %dma_wait3A_56 = tpu.memref_slice %arg3[%dma_wait3A_54, %mul3A_2, %dma_wait3A_55] : memref<12x64x1024xf32, #tpu.memory_space<hbm>> -> memref<12x1x1024xf32, #tpu.memory_space<hbm>>
    %dma_wait3A_57 = tpu.memref_squeeze %dma_wait3A_56 : memref<12x1x1024xf32, #tpu.memory_space<hbm>> -> memref<12x1024xf32, #tpu.memory_space<hbm>>
    tpu.wait_dma2 semaphore(%arg18 : memref<!tpu.dma_semaphore, #tpu.memory_space<semaphore_mem>>) src(%dma_wait3A_57 : memref<12x1024xf32, #tpu.memory_space<hbm>>) dst(%arg10 : memref<12x1024xf32, #tpu.memory_space<vmem>>)
    %parallel_loop3A = arith.constant 0 : i32
    %parallel_loop3A_58 = arith.constant 64 : i32
    %parallel_loop3A_59 = arith.constant 1 : i32
    %parallel_loop3A_60:3 = scf.for %parallel_loop3A_86 = %parallel_loop3A to %parallel_loop3A_58 step %parallel_loop3A_59 iter_args(%parallel_loop3A_87 = %broadcast_in_dim3A_38, %parallel_loop3A_88 = %broadcast_in_dim3A_40, %parallel_loop3A_89 = %broadcast_in_dim3A_42) -> (vector<16xf32>, vector<16xf32>, vector<16xf32>)  : i32 {
      %parallel_loop3A_90 = arith.constant 16 : i32
      %parallel_loop3A_91 = arith.muli %parallel_loop3A_86, %parallel_loop3A_90 : i32
      %parallel_loop3A_92 = arith.constant 0 : i32
      %parallel_loop3A_93 = arith.index_cast %parallel_loop3A_92 : i32 to index
      %parallel_loop3A_94 = arith.index_cast %parallel_loop3A_91 : i32 to index
      %parallel_loop3A_95 = tpu.vector_load %arg15[%parallel_loop3A_93, %parallel_loop3A_94] {strides = array<i32>} : memref<2x1024xi32, #tpu.memory_space<vmem>>, vector<16xi32>,
      %parallel_loop3A_96 = arith.constant 0 : i32
      %parallel_loop3A_97 = arith.index_cast %parallel_loop3A_96 : i32 to index
      %parallel_loop3A_98 = arith.index_cast %parallel_loop3A_91 : i32 to index
      %parallel_loop3A_99 = tpu.vector_load %arg16[%parallel_loop3A_97, %parallel_loop3A_98] {strides = array<i32>} : memref<2x1024xi32, #tpu.memory_space<vmem>>, vector<16xi32>,
      %parallel_loop3A_100 = arith.sitofp %parallel_loop3A_99 : vector<16xi32> to vector<16xf32>
      %parallel_loop3A_101 = arith.constant 0 : i32
      %parallel_loop3A_102 = vector.broadcast %parallel_loop3A_101 : i32 to vector<16xi32>
      %parallel_loop3A_103 = tpu.vector_load_idx %arg13[%parallel_loop3A_102, %parallel_loop3A_95] : memref<2x128xi32, #tpu.memory_space<vmem>>[vector<16xi32>, vector<16xi32>], vector<16xi32>,
      %parallel_loop3A_104 = vector.broadcast %parallel_loop3A_91 : i32 to vector<16xi32>
      %parallel_loop3A_105 = arith.addi %parallel_loop3A_104, %iota3A : vector<16xi32>
      %parallel_loop3A_106 = arith.constant 0 : i32
      %parallel_loop3A_107 = arith.index_cast %parallel_loop3A_106 : i32 to index
      %parallel_loop3A_108 = arith.index_cast %parallel_loop3A_91 : i32 to index
      %parallel_loop3A_109 = tpu.vector_load %arg9[%parallel_loop3A_107, %parallel_loop3A_108] {strides = array<i32>} : memref<12x1024xf32, #tpu.memory_space<vmem>>, vector<16xf32>,
      %parallel_loop3A_110 = arith.constant 1 : i32
      %parallel_loop3A_111 = arith.index_cast %parallel_loop3A_110 : i32 to index
      %parallel_loop3A_112 = arith.index_cast %parallel_loop3A_91 : i32 to index
      %parallel_loop3A_113 = tpu.vector_load %arg9[%parallel_loop3A_111, %parallel_loop3A_112] {strides = array<i32>} : memref<12x1024xf32, #tpu.memory_space<vmem>>, vector<16xf32>,
      %parallel_loop3A_114 = arith.constant 2 : i32
      %parallel_loop3A_115 = arith.index_cast %parallel_loop3A_114 : i32 to index
      %parallel_loop3A_116 = arith.index_cast %parallel_loop3A_91 : i32 to index
      %parallel_loop3A_117 = tpu.vector_load %arg9[%parallel_loop3A_115, %parallel_loop3A_116] {strides = array<i32>} : memref<12x1024xf32, #tpu.memory_space<vmem>>, vector<16xf32>,
      %parallel_loop3A_118 = arith.constant 3 : i32
      %parallel_loop3A_119 = arith.index_cast %parallel_loop3A_118 : i32 to index
      %parallel_loop3A_120 = arith.index_cast %parallel_loop3A_91 : i32 to index
      %parallel_loop3A_121 = tpu.vector_load %arg9[%parallel_loop3A_119, %parallel_loop3A_120] {strides = array<i32>} : memref<12x1024xf32, #tpu.memory_space<vmem>>, vector<16xf32>,
      %parallel_loop3A_122 = arith.constant 4 : i32
      %parallel_loop3A_123 = arith.index_cast %parallel_loop3A_122 : i32 to index
      %parallel_loop3A_124 = arith.index_cast %parallel_loop3A_91 : i32 to index
      %parallel_loop3A_125 = tpu.vector_load %arg9[%parallel_loop3A_123, %parallel_loop3A_124] {strides = array<i32>} : memref<12x1024xf32, #tpu.memory_space<vmem>>, vector<16xf32>,
      %parallel_loop3A_126 = arith.constant 5 : i32
      %parallel_loop3A_127 = arith.index_cast %parallel_loop3A_126 : i32 to index
      %parallel_loop3A_128 = arith.index_cast %parallel_loop3A_91 : i32 to index
      %parallel_loop3A_129 = tpu.vector_load %arg9[%parallel_loop3A_127, %parallel_loop3A_128] {strides = array<i32>} : memref<12x1024xf32, #tpu.memory_space<vmem>>, vector<16xf32>,
      %parallel_loop3A_130 = arith.constant 6 : i32
      %parallel_loop3A_131 = arith.index_cast %parallel_loop3A_130 : i32 to index
      %parallel_loop3A_132 = arith.index_cast %parallel_loop3A_91 : i32 to index
      %parallel_loop3A_133 = tpu.vector_load %arg9[%parallel_loop3A_131, %parallel_loop3A_132] {strides = array<i32>} : memref<12x1024xf32, #tpu.memory_space<vmem>>, vector<16xf32>,
      %parallel_loop3A_134 = arith.constant 7 : i32
      %parallel_loop3A_135 = arith.index_cast %parallel_loop3A_134 : i32 to index
      %parallel_loop3A_136 = arith.index_cast %parallel_loop3A_91 : i32 to index
      %parallel_loop3A_137 = tpu.vector_load %arg9[%parallel_loop3A_135, %parallel_loop3A_136] {strides = array<i32>} : memref<12x1024xf32, #tpu.memory_space<vmem>>, vector<16xf32>,
      %parallel_loop3A_138 = arith.constant 8 : i32
      %parallel_loop3A_139 = arith.index_cast %parallel_loop3A_138 : i32 to index
      %parallel_loop3A_140 = arith.index_cast %parallel_loop3A_91 : i32 to index
      %parallel_loop3A_141 = tpu.vector_load %arg9[%parallel_loop3A_139, %parallel_loop3A_140] {strides = array<i32>} : memref<12x1024xf32, #tpu.memory_space<vmem>>, vector<16xf32>,
      %parallel_loop3A_142 = arith.constant 9 : i32
      %parallel_loop3A_143 = arith.index_cast %parallel_loop3A_142 : i32 to index
      %parallel_loop3A_144 = arith.index_cast %parallel_loop3A_91 : i32 to index
      %parallel_loop3A_145 = tpu.vector_load %arg9[%parallel_loop3A_143, %parallel_loop3A_144] {strides = array<i32>} : memref<12x1024xf32, #tpu.memory_space<vmem>>, vector<16xf32>,
      %parallel_loop3A_146 = arith.constant 10 : i32
      %parallel_loop3A_147 = arith.index_cast %parallel_loop3A_146 : i32 to index
      %parallel_loop3A_148 = arith.index_cast %parallel_loop3A_91 : i32 to index
      %parallel_loop3A_149 = tpu.vector_load %arg9[%parallel_loop3A_147, %parallel_loop3A_148] {strides = array<i32>} : memref<12x1024xf32, #tpu.memory_space<vmem>>, vector<16xf32>,
      %parallel_loop3A_150 = arith.constant 11 : i32
      %parallel_loop3A_151 = arith.index_cast %parallel_loop3A_150 : i32 to index
      %parallel_loop3A_152 = arith.index_cast %parallel_loop3A_91 : i32 to index
      %parallel_loop3A_153 = tpu.vector_load %arg9[%parallel_loop3A_151, %parallel_loop3A_152] {strides = array<i32>} : memref<12x1024xf32, #tpu.memory_space<vmem>>, vector<16xf32>,
      %parallel_loop3A_154 = arith.maximumf %parallel_loop3A_109, %parallel_loop3A_113 : vector<16xf32>
      %parallel_loop3A_155 = arith.maximumf %parallel_loop3A_117, %parallel_loop3A_121 : vector<16xf32>
      %parallel_loop3A_156 = arith.maximumf %parallel_loop3A_125, %parallel_loop3A_129 : vector<16xf32>
      %parallel_loop3A_157 = arith.maximumf %parallel_loop3A_133, %parallel_loop3A_137 : vector<16xf32>
      %parallel_loop3A_158 = arith.maximumf %parallel_loop3A_141, %parallel_loop3A_145 : vector<16xf32>
      %parallel_loop3A_159 = arith.maximumf %parallel_loop3A_149, %parallel_loop3A_153 : vector<16xf32>
      %parallel_loop3A_160 = arith.maximumf %parallel_loop3A_154, %parallel_loop3A_155 : vector<16xf32>
      %parallel_loop3A_161 = arith.maximumf %parallel_loop3A_156, %parallel_loop3A_157 : vector<16xf32>
      %parallel_loop3A_162 = arith.maximumf %parallel_loop3A_158, %parallel_loop3A_159 : vector<16xf32>
      %parallel_loop3A_163 = arith.maximumf %parallel_loop3A_160, %parallel_loop3A_161 : vector<16xf32>
      %parallel_loop3A_164 = arith.maximumf %parallel_loop3A_163, %parallel_loop3A_162 : vector<16xf32>
      %parallel_loop3A_165 = arith.subf %parallel_loop3A_109, %parallel_loop3A_164 : vector<16xf32>
      %parallel_loop3A_166 = math.exp %parallel_loop3A_165 : vector<16xf32>
      %parallel_loop3A_167 = arith.subf %parallel_loop3A_113, %parallel_loop3A_164 : vector<16xf32>
      %parallel_loop3A_168 = math.exp %parallel_loop3A_167 : vector<16xf32>
      %parallel_loop3A_169 = arith.subf %parallel_loop3A_117, %parallel_loop3A_164 : vector<16xf32>
      %parallel_loop3A_170 = math.exp %parallel_loop3A_169 : vector<16xf32>
      %parallel_loop3A_171 = arith.subf %parallel_loop3A_121, %parallel_loop3A_164 : vector<16xf32>
      %parallel_loop3A_172 = math.exp %parallel_loop3A_171 : vector<16xf32>
      %parallel_loop3A_173 = arith.subf %parallel_loop3A_125, %parallel_loop3A_164 : vector<16xf32>
      %parallel_loop3A_174 = math.exp %parallel_loop3A_173 : vector<16xf32>
      %parallel_loop3A_175 = arith.subf %parallel_loop3A_129, %parallel_loop3A_164 : vector<16xf32>
      %parallel_loop3A_176 = math.exp %parallel_loop3A_175 : vector<16xf32>
      %parallel_loop3A_177 = arith.subf %parallel_loop3A_133, %parallel_loop3A_164 : vector<16xf32>
      %parallel_loop3A_178 = math.exp %parallel_loop3A_177 : vector<16xf32>
      %parallel_loop3A_179 = arith.subf %parallel_loop3A_137, %parallel_loop3A_164 : vector<16xf32>
      %parallel_loop3A_180 = math.exp %parallel_loop3A_179 : vector<16xf32>
      %parallel_loop3A_181 = arith.subf %parallel_loop3A_141, %parallel_loop3A_164 : vector<16xf32>
      %parallel_loop3A_182 = math.exp %parallel_loop3A_181 : vector<16xf32>
      %parallel_loop3A_183 = arith.subf %parallel_loop3A_145, %parallel_loop3A_164 : vector<16xf32>
      %parallel_loop3A_184 = math.exp %parallel_loop3A_183 : vector<16xf32>
      %parallel_loop3A_185 = arith.subf %parallel_loop3A_149, %parallel_loop3A_164 : vector<16xf32>
      %parallel_loop3A_186 = math.exp %parallel_loop3A_185 : vector<16xf32>
      %parallel_loop3A_187 = arith.subf %parallel_loop3A_153, %parallel_loop3A_164 : vector<16xf32>
      %parallel_loop3A_188 = math.exp %parallel_loop3A_187 : vector<16xf32>
      %parallel_loop3A_189 = arith.addf %parallel_loop3A_166, %parallel_loop3A_168 : vector<16xf32>
      %parallel_loop3A_190 = arith.addf %parallel_loop3A_170, %parallel_loop3A_172 : vector<16xf32>
      %parallel_loop3A_191 = arith.addf %parallel_loop3A_174, %parallel_loop3A_176 : vector<16xf32>
      %parallel_loop3A_192 = arith.addf %parallel_loop3A_178, %parallel_loop3A_180 : vector<16xf32>
      %parallel_loop3A_193 = arith.addf %parallel_loop3A_182, %parallel_loop3A_184 : vector<16xf32>
      %parallel_loop3A_194 = arith.addf %parallel_loop3A_186, %parallel_loop3A_188 : vector<16xf32>
      %parallel_loop3A_195 = arith.addf %parallel_loop3A_189, %parallel_loop3A_190 : vector<16xf32>
      %parallel_loop3A_196 = arith.addf %parallel_loop3A_191, %parallel_loop3A_192 : vector<16xf32>
      %parallel_loop3A_197 = arith.addf %parallel_loop3A_193, %parallel_loop3A_194 : vector<16xf32>
      %parallel_loop3A_198 = arith.addf %parallel_loop3A_195, %parallel_loop3A_196 : vector<16xf32>
      %parallel_loop3A_199 = arith.addf %parallel_loop3A_198, %parallel_loop3A_197 : vector<16xf32>
      %parallel_loop3A_200 = vector.bitcast %parallel_loop3A_199 : vector<16xf32> to vector<16xi32>
      %parallel_loop3A_201 = arith.constant 23 : i32
      %parallel_loop3A_202 = vector.broadcast %parallel_loop3A_201 : i32 to vector<16xi32>
      %parallel_loop3A_203 = arith.shrsi %parallel_loop3A_200, %parallel_loop3A_202 : vector<16xi32>
      %parallel_loop3A_204 = arith.constant 127 : i32
      %parallel_loop3A_205 = vector.broadcast %parallel_loop3A_204 : i32 to vector<16xi32>
      %parallel_loop3A_206 = arith.subi %parallel_loop3A_203, %parallel_loop3A_205 : vector<16xi32>
      %parallel_loop3A_207 = arith.constant 8388607 : i32
      %parallel_loop3A_208 = vector.broadcast %parallel_loop3A_207 : i32 to vector<16xi32>
      %parallel_loop3A_209 = arith.andi %parallel_loop3A_200, %parallel_loop3A_208 : vector<16xi32>
      %parallel_loop3A_210 = arith.constant 1065353216 : i32
      %parallel_loop3A_211 = vector.broadcast %parallel_loop3A_210 : i32 to vector<16xi32>
      %parallel_loop3A_212 = arith.ori %parallel_loop3A_209, %parallel_loop3A_211 : vector<16xi32>
      %parallel_loop3A_213 = vector.bitcast %parallel_loop3A_212 : vector<16xi32> to vector<16xf32>
      %parallel_loop3A_214 = arith.constant 1.000000e+00 : f32
      %parallel_loop3A_215 = vector.broadcast %parallel_loop3A_214 : f32 to vector<16xf32>
      %parallel_loop3A_216 = arith.subf %parallel_loop3A_213, %parallel_loop3A_215 : vector<16xf32>
      %parallel_loop3A_217 = arith.mulf %parallel_loop3A_216, %parallel_loop3A_216 : vector<16xf32>
      %parallel_loop3A_218 = arith.mulf %parallel_loop3A_217, %parallel_loop3A_217 : vector<16xf32>
      %parallel_loop3A_219 = arith.constant 0.999967098 : f32
      %parallel_loop3A_220 = vector.broadcast %parallel_loop3A_219 : f32 to vector<16xf32>
      %parallel_loop3A_221 = arith.mulf %parallel_loop3A_220, %parallel_loop3A_216 : vector<16xf32>
      %parallel_loop3A_222 = arith.constant 2.55467313E-7 : f32
      %parallel_loop3A_223 = vector.broadcast %parallel_loop3A_222 : f32 to vector<16xf32>
      %parallel_loop3A_224 = arith.addf %parallel_loop3A_223, %parallel_loop3A_221 : vector<16xf32>
      %parallel_loop3A_225 = arith.constant 0.327225715 : f32
      %parallel_loop3A_226 = vector.broadcast %parallel_loop3A_225 : f32 to vector<16xf32>
      %parallel_loop3A_227 = arith.mulf %parallel_loop3A_226, %parallel_loop3A_216 : vector<16xf32>
      %parallel_loop3A_228 = arith.constant -0.499285042 : f32
      %parallel_loop3A_229 = vector.broadcast %parallel_loop3A_228 : f32 to vector<16xf32>
      %parallel_loop3A_230 = arith.addf %parallel_loop3A_229, %parallel_loop3A_227 : vector<16xf32>
      %parallel_loop3A_231 = arith.mulf %parallel_loop3A_230, %parallel_loop3A_217 : vector<16xf32>
      %parallel_loop3A_232 = arith.addf %parallel_loop3A_224, %parallel_loop3A_231 : vector<16xf32>
      %parallel_loop3A_233 = arith.constant 0.130833432 : f32
      %parallel_loop3A_234 = vector.broadcast %parallel_loop3A_233 : f32 to vector<16xf32>
      %parallel_loop3A_235 = arith.mulf %parallel_loop3A_234, %parallel_loop3A_216 : vector<16xf32>
      %parallel_loop3A_236 = arith.constant -0.22316587 : f32
      %parallel_loop3A_237 = vector.broadcast %parallel_loop3A_236 : f32 to vector<16xf32>
      %parallel_loop3A_238 = arith.addf %parallel_loop3A_237, %parallel_loop3A_235 : vector<16xf32>
      %parallel_loop3A_239 = arith.constant 0.0100092897 : f32
      %parallel_loop3A_240 = vector.broadcast %parallel_loop3A_239 : f32 to vector<16xf32>
      %parallel_loop3A_241 = arith.mulf %parallel_loop3A_240, %parallel_loop3A_216 : vector<16xf32>
      %parallel_loop3A_242 = arith.constant -0.0524375364 : f32
      %parallel_loop3A_243 = vector.broadcast %parallel_loop3A_242 : f32 to vector<16xf32>
      %parallel_loop3A_244 = arith.addf %parallel_loop3A_243, %parallel_loop3A_241 : vector<16xf32>
      %parallel_loop3A_245 = arith.mulf %parallel_loop3A_244, %parallel_loop3A_217 : vector<16xf32>
      %parallel_loop3A_246 = arith.addf %parallel_loop3A_238, %parallel_loop3A_245 : vector<16xf32>
      %parallel_loop3A_247 = arith.sitofp %parallel_loop3A_206 : vector<16xi32> to vector<16xf32>
      %parallel_loop3A_248 = arith.constant 0.693147182 : f32
      %parallel_loop3A_249 = vector.broadcast %parallel_loop3A_248 : f32 to vector<16xf32>
      %parallel_loop3A_250 = arith.mulf %parallel_loop3A_247, %parallel_loop3A_249 : vector<16xf32>
      %parallel_loop3A_251 = arith.mulf %parallel_loop3A_246, %parallel_loop3A_218 : vector<16xf32>
      %parallel_loop3A_252 = arith.addf %parallel_loop3A_232, %parallel_loop3A_251 : vector<16xf32>
      %parallel_loop3A_253 = arith.addf %parallel_loop3A_250, %parallel_loop3A_252 : vector<16xf32>
      %parallel_loop3A_254 = arith.addf %parallel_loop3A_253, %parallel_loop3A_164 : vector<16xf32>
      %parallel_loop3A_255 = tpu.vector_load_idx %arg9[%parallel_loop3A_103, %parallel_loop3A_105] : memref<12x1024xf32, #tpu.memory_space<vmem>>[vector<16xi32>, vector<16xi32>], vector<16xf32>,
      %parallel_loop3A_256 = arith.subf %parallel_loop3A_254, %parallel_loop3A_255 : vector<16xf32>
      %parallel_loop3A_257 = arith.constant 0 : i32
      %parallel_loop3A_258 = vector.broadcast %parallel_loop3A_257 : i32 to vector<16xi32>
      %parallel_loop3A_259 = tpu.vector_load_idx %arg14[%parallel_loop3A_258, %parallel_loop3A_95] : memref<2x128xf32, #tpu.memory_space<vmem>>[vector<16xi32>, vector<16xi32>], vector<16xf32>,
      %parallel_loop3A_260 = arith.constant 3.8197186 : f32
      %parallel_loop3A_261 = vector.broadcast %parallel_loop3A_260 : f32 to vector<16xf32>
      %parallel_loop3A_262 = arith.mulf %parallel_loop3A_259, %parallel_loop3A_261 : vector<16xf32>
      %parallel_loop3A_263 = tpu.vector_load_idx %arg10[%parallel_loop3A_103, %parallel_loop3A_105] : memref<12x1024xf32, #tpu.memory_space<vmem>>[vector<16xi32>, vector<16xi32>], vector<16xf32>,
      %parallel_loop3A_264 = arith.subf %parallel_loop3A_263, %parallel_loop3A_262 : vector<16xf32>
      %parallel_loop3A_265 = math.absf %parallel_loop3A_264 : vector<16xf32>
      %parallel_loop3A_266 = arith.constant 1.000000e+00 : f32
      %parallel_loop3A_267 = vector.broadcast %parallel_loop3A_266 : f32 to vector<16xf32>
      %parallel_loop3A_268 = arith.minimumf %parallel_loop3A_265, %parallel_loop3A_267 : vector<16xf32>
      %parallel_loop3A_269 = arith.constant 5.000000e-01 : f32
      %parallel_loop3A_270 = vector.broadcast %parallel_loop3A_269 : f32 to vector<16xf32>
      %parallel_loop3A_271 = arith.mulf %parallel_loop3A_270, %parallel_loop3A_268 : vector<16xf32>
      %parallel_loop3A_272 = arith.mulf %parallel_loop3A_271, %parallel_loop3A_268 : vector<16xf32>
      %parallel_loop3A_273 = arith.subf %parallel_loop3A_265, %parallel_loop3A_268 : vector<16xf32>
      %parallel_loop3A_274 = arith.addf %parallel_loop3A_272, %parallel_loop3A_273 : vector<16xf32>
      %parallel_loop3A_275 = arith.mulf %parallel_loop3A_256, %parallel_loop3A_100 : vector<16xf32>
      %parallel_loop3A_276 = arith.addf %parallel_loop3A_87, %parallel_loop3A_275 : vector<16xf32>
      %parallel_loop3A_277 = arith.mulf %parallel_loop3A_274, %parallel_loop3A_100 : vector<16xf32>
      %parallel_loop3A_278 = arith.addf %parallel_loop3A_88, %parallel_loop3A_277 : vector<16xf32>
      %parallel_loop3A_279 = arith.addf %parallel_loop3A_89, %parallel_loop3A_100 : vector<16xf32>
      scf.yield %parallel_loop3A_276, %parallel_loop3A_278, %parallel_loop3A_279 : vector<16xf32>, vector<16xf32>, vector<16xf32>
    } {sc.loop_unroll_factor = 8 : i64, sc.parallel_access}
    %dma_wait3A_61 = arith.constant 0 : i32
    %dma_wait3A_62 = arith.constant 0 : i32
    %dma_wait3A_63 = tpu.memref_slice %arg2[%dma_wait3A_61, %add3A_19, %dma_wait3A_62] : memref<12x64x1024xf32, #tpu.memory_space<hbm>> -> memref<12x1x1024xf32, #tpu.memory_space<hbm>>
    %dma_wait3A_64 = tpu.memref_squeeze %dma_wait3A_63 : memref<12x1x1024xf32, #tpu.memory_space<hbm>> -> memref<12x1024xf32, #tpu.memory_space<hbm>>
    %dma_wait3A_65 = arith.constant 0 : i32
    %dma_wait3A_66 = arith.constant 0 : i32
    %dma_wait3A_67 = tpu.memref_slice %arg2[%dma_wait3A_65, %add3A_19, %dma_wait3A_66] : memref<12x64x1024xf32, #tpu.memory_space<hbm>> -> memref<12x1x1024xf32, #tpu.memory_space<hbm>>
    %dma_wait3A_68 = tpu.memref_squeeze %dma_wait3A_67 : memref<12x1x1024xf32, #tpu.memory_space<hbm>> -> memref<12x1024xf32, #tpu.memory_space<hbm>>
    tpu.wait_dma2 semaphore(%arg19 : memref<!tpu.dma_semaphore, #tpu.memory_space<semaphore_mem>>) src(%dma_wait3A_68 : memref<12x1024xf32, #tpu.memory_space<hbm>>) dst(%arg11 : memref<12x1024xf32, #tpu.memory_space<vmem>>)
    %dma_wait3A_69 = arith.constant 0 : i32
    %dma_wait3A_70 = arith.constant 0 : i32
    %dma_wait3A_71 = tpu.memref_slice %arg3[%dma_wait3A_69, %add3A_29, %dma_wait3A_70] : memref<12x64x1024xf32, #tpu.memory_space<hbm>> -> memref<12x1x1024xf32, #tpu.memory_space<hbm>>
    %dma_wait3A_72 = tpu.memref_squeeze %dma_wait3A_71 : memref<12x1x1024xf32, #tpu.memory_space<hbm>> -> memref<12x1024xf32, #tpu.memory_space<hbm>>
    %dma_wait3A_73 = arith.constant 0 : i32
    %dma_wait3A_74 = arith.constant 0 : i32
    %dma_wait3A_75 = tpu.memref_slice %arg3[%dma_wait3A_73, %add3A_29, %dma_wait3A_74] : memref<12x64x1024xf32, #tpu.memory_space<hbm>> -> memref<12x1x1024xf32, #tpu.memory_space<hbm>>
    %dma_wait3A_76 = tpu.memref_squeeze %dma_wait3A_75 : memref<12x1x1024xf32, #tpu.memory_space<hbm>> -> memref<12x1024xf32, #tpu.memory_space<hbm>>
    tpu.wait_dma2 semaphore(%arg19 : memref<!tpu.dma_semaphore, #tpu.memory_space<semaphore_mem>>) src(%dma_wait3A_76 : memref<12x1024xf32, #tpu.memory_space<hbm>>) dst(%arg12 : memref<12x1024xf32, #tpu.memory_space<vmem>>)
    %parallel_loop3A_77 = arith.constant 0 : i32
    %parallel_loop3A_78 = arith.constant 64 : i32
    %parallel_loop3A_79 = arith.constant 1 : i32
    %parallel_loop3A_80:3 = scf.for %parallel_loop3A_86 = %parallel_loop3A_77 to %parallel_loop3A_78 step %parallel_loop3A_79 iter_args(%parallel_loop3A_87 = %parallel_loop3A_60#0, %parallel_loop3A_88 = %parallel_loop3A_60#1, %parallel_loop3A_89 = %parallel_loop3A_60#2) -> (vector<16xf32>, vector<16xf32>, vector<16xf32>)  : i32 {
      %parallel_loop3A_90 = arith.constant 16 : i32
      %parallel_loop3A_91 = arith.muli %parallel_loop3A_86, %parallel_loop3A_90 : i32
      %parallel_loop3A_92 = arith.constant 1 : i32
      %parallel_loop3A_93 = arith.index_cast %parallel_loop3A_92 : i32 to index
      %parallel_loop3A_94 = arith.index_cast %parallel_loop3A_91 : i32 to index
      %parallel_loop3A_95 = tpu.vector_load %arg15[%parallel_loop3A_93, %parallel_loop3A_94] {strides = array<i32>} : memref<2x1024xi32, #tpu.memory_space<vmem>>, vector<16xi32>,
      %parallel_loop3A_96 = arith.constant 1 : i32
      %parallel_loop3A_97 = arith.index_cast %parallel_loop3A_96 : i32 to index
      %parallel_loop3A_98 = arith.index_cast %parallel_loop3A_91 : i32 to index
      %parallel_loop3A_99 = tpu.vector_load %arg16[%parallel_loop3A_97, %parallel_loop3A_98] {strides = array<i32>} : memref<2x1024xi32, #tpu.memory_space<vmem>>, vector<16xi32>,
      %parallel_loop3A_100 = arith.sitofp %parallel_loop3A_99 : vector<16xi32> to vector<16xf32>
      %parallel_loop3A_101 = arith.constant 1 : i32
      %parallel_loop3A_102 = vector.broadcast %parallel_loop3A_101 : i32 to vector<16xi32>
      %parallel_loop3A_103 = tpu.vector_load_idx %arg13[%parallel_loop3A_102, %parallel_loop3A_95] : memref<2x128xi32, #tpu.memory_space<vmem>>[vector<16xi32>, vector<16xi32>], vector<16xi32>,
      %parallel_loop3A_104 = vector.broadcast %parallel_loop3A_91 : i32 to vector<16xi32>
      %parallel_loop3A_105 = arith.addi %parallel_loop3A_104, %iota3A : vector<16xi32>
      %parallel_loop3A_106 = arith.constant 0 : i32
      %parallel_loop3A_107 = arith.index_cast %parallel_loop3A_106 : i32 to index
      %parallel_loop3A_108 = arith.index_cast %parallel_loop3A_91 : i32 to index
      %parallel_loop3A_109 = tpu.vector_load %arg11[%parallel_loop3A_107, %parallel_loop3A_108] {strides = array<i32>} : memref<12x1024xf32, #tpu.memory_space<vmem>>, vector<16xf32>,
      %parallel_loop3A_110 = arith.constant 1 : i32
      %parallel_loop3A_111 = arith.index_cast %parallel_loop3A_110 : i32 to index
      %parallel_loop3A_112 = arith.index_cast %parallel_loop3A_91 : i32 to index
      %parallel_loop3A_113 = tpu.vector_load %arg11[%parallel_loop3A_111, %parallel_loop3A_112] {strides = array<i32>} : memref<12x1024xf32, #tpu.memory_space<vmem>>, vector<16xf32>,
      %parallel_loop3A_114 = arith.constant 2 : i32
      %parallel_loop3A_115 = arith.index_cast %parallel_loop3A_114 : i32 to index
      %parallel_loop3A_116 = arith.index_cast %parallel_loop3A_91 : i32 to index
      %parallel_loop3A_117 = tpu.vector_load %arg11[%parallel_loop3A_115, %parallel_loop3A_116] {strides = array<i32>} : memref<12x1024xf32, #tpu.memory_space<vmem>>, vector<16xf32>,
      %parallel_loop3A_118 = arith.constant 3 : i32
      %parallel_loop3A_119 = arith.index_cast %parallel_loop3A_118 : i32 to index
      %parallel_loop3A_120 = arith.index_cast %parallel_loop3A_91 : i32 to index
      %parallel_loop3A_121 = tpu.vector_load %arg11[%parallel_loop3A_119, %parallel_loop3A_120] {strides = array<i32>} : memref<12x1024xf32, #tpu.memory_space<vmem>>, vector<16xf32>,
      %parallel_loop3A_122 = arith.constant 4 : i32
      %parallel_loop3A_123 = arith.index_cast %parallel_loop3A_122 : i32 to index
      %parallel_loop3A_124 = arith.index_cast %parallel_loop3A_91 : i32 to index
      %parallel_loop3A_125 = tpu.vector_load %arg11[%parallel_loop3A_123, %parallel_loop3A_124] {strides = array<i32>} : memref<12x1024xf32, #tpu.memory_space<vmem>>, vector<16xf32>,
      %parallel_loop3A_126 = arith.constant 5 : i32
      %parallel_loop3A_127 = arith.index_cast %parallel_loop3A_126 : i32 to index
      %parallel_loop3A_128 = arith.index_cast %parallel_loop3A_91 : i32 to index
      %parallel_loop3A_129 = tpu.vector_load %arg11[%parallel_loop3A_127, %parallel_loop3A_128] {strides = array<i32>} : memref<12x1024xf32, #tpu.memory_space<vmem>>, vector<16xf32>,
      %parallel_loop3A_130 = arith.constant 6 : i32
      %parallel_loop3A_131 = arith.index_cast %parallel_loop3A_130 : i32 to index
      %parallel_loop3A_132 = arith.index_cast %parallel_loop3A_91 : i32 to index
      %parallel_loop3A_133 = tpu.vector_load %arg11[%parallel_loop3A_131, %parallel_loop3A_132] {strides = array<i32>} : memref<12x1024xf32, #tpu.memory_space<vmem>>, vector<16xf32>,
      %parallel_loop3A_134 = arith.constant 7 : i32
      %parallel_loop3A_135 = arith.index_cast %parallel_loop3A_134 : i32 to index
      %parallel_loop3A_136 = arith.index_cast %parallel_loop3A_91 : i32 to index
      %parallel_loop3A_137 = tpu.vector_load %arg11[%parallel_loop3A_135, %parallel_loop3A_136] {strides = array<i32>} : memref<12x1024xf32, #tpu.memory_space<vmem>>, vector<16xf32>,
      %parallel_loop3A_138 = arith.constant 8 : i32
      %parallel_loop3A_139 = arith.index_cast %parallel_loop3A_138 : i32 to index
      %parallel_loop3A_140 = arith.index_cast %parallel_loop3A_91 : i32 to index
      %parallel_loop3A_141 = tpu.vector_load %arg11[%parallel_loop3A_139, %parallel_loop3A_140] {strides = array<i32>} : memref<12x1024xf32, #tpu.memory_space<vmem>>, vector<16xf32>,
      %parallel_loop3A_142 = arith.constant 9 : i32
      %parallel_loop3A_143 = arith.index_cast %parallel_loop3A_142 : i32 to index
      %parallel_loop3A_144 = arith.index_cast %parallel_loop3A_91 : i32 to index
      %parallel_loop3A_145 = tpu.vector_load %arg11[%parallel_loop3A_143, %parallel_loop3A_144] {strides = array<i32>} : memref<12x1024xf32, #tpu.memory_space<vmem>>, vector<16xf32>,
      %parallel_loop3A_146 = arith.constant 10 : i32
      %parallel_loop3A_147 = arith.index_cast %parallel_loop3A_146 : i32 to index
      %parallel_loop3A_148 = arith.index_cast %parallel_loop3A_91 : i32 to index
      %parallel_loop3A_149 = tpu.vector_load %arg11[%parallel_loop3A_147, %parallel_loop3A_148] {strides = array<i32>} : memref<12x1024xf32, #tpu.memory_space<vmem>>, vector<16xf32>,
      %parallel_loop3A_150 = arith.constant 11 : i32
      %parallel_loop3A_151 = arith.index_cast %parallel_loop3A_150 : i32 to index
      %parallel_loop3A_152 = arith.index_cast %parallel_loop3A_91 : i32 to index
      %parallel_loop3A_153 = tpu.vector_load %arg11[%parallel_loop3A_151, %parallel_loop3A_152] {strides = array<i32>} : memref<12x1024xf32, #tpu.memory_space<vmem>>, vector<16xf32>,
      %parallel_loop3A_154 = arith.maximumf %parallel_loop3A_109, %parallel_loop3A_113 : vector<16xf32>
      %parallel_loop3A_155 = arith.maximumf %parallel_loop3A_117, %parallel_loop3A_121 : vector<16xf32>
      %parallel_loop3A_156 = arith.maximumf %parallel_loop3A_125, %parallel_loop3A_129 : vector<16xf32>
      %parallel_loop3A_157 = arith.maximumf %parallel_loop3A_133, %parallel_loop3A_137 : vector<16xf32>
      %parallel_loop3A_158 = arith.maximumf %parallel_loop3A_141, %parallel_loop3A_145 : vector<16xf32>
      %parallel_loop3A_159 = arith.maximumf %parallel_loop3A_149, %parallel_loop3A_153 : vector<16xf32>
      %parallel_loop3A_160 = arith.maximumf %parallel_loop3A_154, %parallel_loop3A_155 : vector<16xf32>
      %parallel_loop3A_161 = arith.maximumf %parallel_loop3A_156, %parallel_loop3A_157 : vector<16xf32>
      %parallel_loop3A_162 = arith.maximumf %parallel_loop3A_158, %parallel_loop3A_159 : vector<16xf32>
      %parallel_loop3A_163 = arith.maximumf %parallel_loop3A_160, %parallel_loop3A_161 : vector<16xf32>
      %parallel_loop3A_164 = arith.maximumf %parallel_loop3A_163, %parallel_loop3A_162 : vector<16xf32>
      %parallel_loop3A_165 = arith.subf %parallel_loop3A_109, %parallel_loop3A_164 : vector<16xf32>
      %parallel_loop3A_166 = math.exp %parallel_loop3A_165 : vector<16xf32>
      %parallel_loop3A_167 = arith.subf %parallel_loop3A_113, %parallel_loop3A_164 : vector<16xf32>
      %parallel_loop3A_168 = math.exp %parallel_loop3A_167 : vector<16xf32>
      %parallel_loop3A_169 = arith.subf %parallel_loop3A_117, %parallel_loop3A_164 : vector<16xf32>
      %parallel_loop3A_170 = math.exp %parallel_loop3A_169 : vector<16xf32>
      %parallel_loop3A_171 = arith.subf %parallel_loop3A_121, %parallel_loop3A_164 : vector<16xf32>
      %parallel_loop3A_172 = math.exp %parallel_loop3A_171 : vector<16xf32>
      %parallel_loop3A_173 = arith.subf %parallel_loop3A_125, %parallel_loop3A_164 : vector<16xf32>
      %parallel_loop3A_174 = math.exp %parallel_loop3A_173 : vector<16xf32>
      %parallel_loop3A_175 = arith.subf %parallel_loop3A_129, %parallel_loop3A_164 : vector<16xf32>
      %parallel_loop3A_176 = math.exp %parallel_loop3A_175 : vector<16xf32>
      %parallel_loop3A_177 = arith.subf %parallel_loop3A_133, %parallel_loop3A_164 : vector<16xf32>
      %parallel_loop3A_178 = math.exp %parallel_loop3A_177 : vector<16xf32>
      %parallel_loop3A_179 = arith.subf %parallel_loop3A_137, %parallel_loop3A_164 : vector<16xf32>
      %parallel_loop3A_180 = math.exp %parallel_loop3A_179 : vector<16xf32>
      %parallel_loop3A_181 = arith.subf %parallel_loop3A_141, %parallel_loop3A_164 : vector<16xf32>
      %parallel_loop3A_182 = math.exp %parallel_loop3A_181 : vector<16xf32>
      %parallel_loop3A_183 = arith.subf %parallel_loop3A_145, %parallel_loop3A_164 : vector<16xf32>
      %parallel_loop3A_184 = math.exp %parallel_loop3A_183 : vector<16xf32>
      %parallel_loop3A_185 = arith.subf %parallel_loop3A_149, %parallel_loop3A_164 : vector<16xf32>
      %parallel_loop3A_186 = math.exp %parallel_loop3A_185 : vector<16xf32>
      %parallel_loop3A_187 = arith.subf %parallel_loop3A_153, %parallel_loop3A_164 : vector<16xf32>
      %parallel_loop3A_188 = math.exp %parallel_loop3A_187 : vector<16xf32>
      %parallel_loop3A_189 = arith.addf %parallel_loop3A_166, %parallel_loop3A_168 : vector<16xf32>
      %parallel_loop3A_190 = arith.addf %parallel_loop3A_170, %parallel_loop3A_172 : vector<16xf32>
      %parallel_loop3A_191 = arith.addf %parallel_loop3A_174, %parallel_loop3A_176 : vector<16xf32>
      %parallel_loop3A_192 = arith.addf %parallel_loop3A_178, %parallel_loop3A_180 : vector<16xf32>
      %parallel_loop3A_193 = arith.addf %parallel_loop3A_182, %parallel_loop3A_184 : vector<16xf32>
      %parallel_loop3A_194 = arith.addf %parallel_loop3A_186, %parallel_loop3A_188 : vector<16xf32>
      %parallel_loop3A_195 = arith.addf %parallel_loop3A_189, %parallel_loop3A_190 : vector<16xf32>
      %parallel_loop3A_196 = arith.addf %parallel_loop3A_191, %parallel_loop3A_192 : vector<16xf32>
      %parallel_loop3A_197 = arith.addf %parallel_loop3A_193, %parallel_loop3A_194 : vector<16xf32>
      %parallel_loop3A_198 = arith.addf %parallel_loop3A_195, %parallel_loop3A_196 : vector<16xf32>
      %parallel_loop3A_199 = arith.addf %parallel_loop3A_198, %parallel_loop3A_197 : vector<16xf32>
      %parallel_loop3A_200 = vector.bitcast %parallel_loop3A_199 : vector<16xf32> to vector<16xi32>
      %parallel_loop3A_201 = arith.constant 23 : i32
      %parallel_loop3A_202 = vector.broadcast %parallel_loop3A_201 : i32 to vector<16xi32>
      %parallel_loop3A_203 = arith.shrsi %parallel_loop3A_200, %parallel_loop3A_202 : vector<16xi32>
      %parallel_loop3A_204 = arith.constant 127 : i32
      %parallel_loop3A_205 = vector.broadcast %parallel_loop3A_204 : i32 to vector<16xi32>
      %parallel_loop3A_206 = arith.subi %parallel_loop3A_203, %parallel_loop3A_205 : vector<16xi32>
      %parallel_loop3A_207 = arith.constant 8388607 : i32
      %parallel_loop3A_208 = vector.broadcast %parallel_loop3A_207 : i32 to vector<16xi32>
      %parallel_loop3A_209 = arith.andi %parallel_loop3A_200, %parallel_loop3A_208 : vector<16xi32>
      %parallel_loop3A_210 = arith.constant 1065353216 : i32
      %parallel_loop3A_211 = vector.broadcast %parallel_loop3A_210 : i32 to vector<16xi32>
      %parallel_loop3A_212 = arith.ori %parallel_loop3A_209, %parallel_loop3A_211 : vector<16xi32>
      %parallel_loop3A_213 = vector.bitcast %parallel_loop3A_212 : vector<16xi32> to vector<16xf32>
      %parallel_loop3A_214 = arith.constant 1.000000e+00 : f32
      %parallel_loop3A_215 = vector.broadcast %parallel_loop3A_214 : f32 to vector<16xf32>
      %parallel_loop3A_216 = arith.subf %parallel_loop3A_213, %parallel_loop3A_215 : vector<16xf32>
      %parallel_loop3A_217 = arith.mulf %parallel_loop3A_216, %parallel_loop3A_216 : vector<16xf32>
      %parallel_loop3A_218 = arith.mulf %parallel_loop3A_217, %parallel_loop3A_217 : vector<16xf32>
      %parallel_loop3A_219 = arith.constant 0.999967098 : f32
      %parallel_loop3A_220 = vector.broadcast %parallel_loop3A_219 : f32 to vector<16xf32>
      %parallel_loop3A_221 = arith.mulf %parallel_loop3A_220, %parallel_loop3A_216 : vector<16xf32>
      %parallel_loop3A_222 = arith.constant 2.55467313E-7 : f32
      %parallel_loop3A_223 = vector.broadcast %parallel_loop3A_222 : f32 to vector<16xf32>
      %parallel_loop3A_224 = arith.addf %parallel_loop3A_223, %parallel_loop3A_221 : vector<16xf32>
      %parallel_loop3A_225 = arith.constant 0.327225715 : f32
      %parallel_loop3A_226 = vector.broadcast %parallel_loop3A_225 : f32 to vector<16xf32>
      %parallel_loop3A_227 = arith.mulf %parallel_loop3A_226, %parallel_loop3A_216 : vector<16xf32>
      %parallel_loop3A_228 = arith.constant -0.499285042 : f32
      %parallel_loop3A_229 = vector.broadcast %parallel_loop3A_228 : f32 to vector<16xf32>
      %parallel_loop3A_230 = arith.addf %parallel_loop3A_229, %parallel_loop3A_227 : vector<16xf32>
      %parallel_loop3A_231 = arith.mulf %parallel_loop3A_230, %parallel_loop3A_217 : vector<16xf32>
      %parallel_loop3A_232 = arith.addf %parallel_loop3A_224, %parallel_loop3A_231 : vector<16xf32>
      %parallel_loop3A_233 = arith.constant 0.130833432 : f32
      %parallel_loop3A_234 = vector.broadcast %parallel_loop3A_233 : f32 to vector<16xf32>
      %parallel_loop3A_235 = arith.mulf %parallel_loop3A_234, %parallel_loop3A_216 : vector<16xf32>
      %parallel_loop3A_236 = arith.constant -0.22316587 : f32
      %parallel_loop3A_237 = vector.broadcast %parallel_loop3A_236 : f32 to vector<16xf32>
      %parallel_loop3A_238 = arith.addf %parallel_loop3A_237, %parallel_loop3A_235 : vector<16xf32>
      %parallel_loop3A_239 = arith.constant 0.0100092897 : f32
      %parallel_loop3A_240 = vector.broadcast %parallel_loop3A_239 : f32 to vector<16xf32>
      %parallel_loop3A_241 = arith.mulf %parallel_loop3A_240, %parallel_loop3A_216 : vector<16xf32>
      %parallel_loop3A_242 = arith.constant -0.0524375364 : f32
      %parallel_loop3A_243 = vector.broadcast %parallel_loop3A_242 : f32 to vector<16xf32>
      %parallel_loop3A_244 = arith.addf %parallel_loop3A_243, %parallel_loop3A_241 : vector<16xf32>
      %parallel_loop3A_245 = arith.mulf %parallel_loop3A_244, %parallel_loop3A_217 : vector<16xf32>
      %parallel_loop3A_246 = arith.addf %parallel_loop3A_238, %parallel_loop3A_245 : vector<16xf32>
      %parallel_loop3A_247 = arith.sitofp %parallel_loop3A_206 : vector<16xi32> to vector<16xf32>
      %parallel_loop3A_248 = arith.constant 0.693147182 : f32
      %parallel_loop3A_249 = vector.broadcast %parallel_loop3A_248 : f32 to vector<16xf32>
      %parallel_loop3A_250 = arith.mulf %parallel_loop3A_247, %parallel_loop3A_249 : vector<16xf32>
      %parallel_loop3A_251 = arith.mulf %parallel_loop3A_246, %parallel_loop3A_218 : vector<16xf32>
      %parallel_loop3A_252 = arith.addf %parallel_loop3A_232, %parallel_loop3A_251 : vector<16xf32>
      %parallel_loop3A_253 = arith.addf %parallel_loop3A_250, %parallel_loop3A_252 : vector<16xf32>
      %parallel_loop3A_254 = arith.addf %parallel_loop3A_253, %parallel_loop3A_164 : vector<16xf32>
      %parallel_loop3A_255 = tpu.vector_load_idx %arg11[%parallel_loop3A_103, %parallel_loop3A_105] : memref<12x1024xf32, #tpu.memory_space<vmem>>[vector<16xi32>, vector<16xi32>], vector<16xf32>,
      %parallel_loop3A_256 = arith.subf %parallel_loop3A_254, %parallel_loop3A_255 : vector<16xf32>
      %parallel_loop3A_257 = arith.constant 1 : i32
      %parallel_loop3A_258 = vector.broadcast %parallel_loop3A_257 : i32 to vector<16xi32>
      %parallel_loop3A_259 = tpu.vector_load_idx %arg14[%parallel_loop3A_258, %parallel_loop3A_95] : memref<2x128xf32, #tpu.memory_space<vmem>>[vector<16xi32>, vector<16xi32>], vector<16xf32>,
      %parallel_loop3A_260 = arith.constant 3.8197186 : f32
      %parallel_loop3A_261 = vector.broadcast %parallel_loop3A_260 : f32 to vector<16xf32>
      %parallel_loop3A_262 = arith.mulf %parallel_loop3A_259, %parallel_loop3A_261 : vector<16xf32>
      %parallel_loop3A_263 = tpu.vector_load_idx %arg12[%parallel_loop3A_103, %parallel_loop3A_105] : memref<12x1024xf32, #tpu.memory_space<vmem>>[vector<16xi32>, vector<16xi32>], vector<16xf32>,
      %parallel_loop3A_264 = arith.subf %parallel_loop3A_263, %parallel_loop3A_262 : vector<16xf32>
      %parallel_loop3A_265 = math.absf %parallel_loop3A_264 : vector<16xf32>
      %parallel_loop3A_266 = arith.constant 1.000000e+00 : f32
      %parallel_loop3A_267 = vector.broadcast %parallel_loop3A_266 : f32 to vector<16xf32>
      %parallel_loop3A_268 = arith.minimumf %parallel_loop3A_265, %parallel_loop3A_267 : vector<16xf32>
      %parallel_loop3A_269 = arith.constant 5.000000e-01 : f32
      %parallel_loop3A_270 = vector.broadcast %parallel_loop3A_269 : f32 to vector<16xf32>
      %parallel_loop3A_271 = arith.mulf %parallel_loop3A_270, %parallel_loop3A_268 : vector<16xf32>
      %parallel_loop3A_272 = arith.mulf %parallel_loop3A_271, %parallel_loop3A_268 : vector<16xf32>
      %parallel_loop3A_273 = arith.subf %parallel_loop3A_265, %parallel_loop3A_268 : vector<16xf32>
      %parallel_loop3A_274 = arith.addf %parallel_loop3A_272, %parallel_loop3A_273 : vector<16xf32>
      %parallel_loop3A_275 = arith.mulf %parallel_loop3A_256, %parallel_loop3A_100 : vector<16xf32>
      %parallel_loop3A_276 = arith.addf %parallel_loop3A_87, %parallel_loop3A_275 : vector<16xf32>
      %parallel_loop3A_277 = arith.mulf %parallel_loop3A_274, %parallel_loop3A_100 : vector<16xf32>
      %parallel_loop3A_278 = arith.addf %parallel_loop3A_88, %parallel_loop3A_277 : vector<16xf32>
      %parallel_loop3A_279 = arith.addf %parallel_loop3A_89, %parallel_loop3A_100 : vector<16xf32>
      scf.yield %parallel_loop3A_276, %parallel_loop3A_278, %parallel_loop3A_279 : vector<16xf32>, vector<16xf32>, vector<16xf32>
    } {sc.loop_unroll_factor = 8 : i64, sc.parallel_access}
    %swap3A = arith.constant 0 : index
    %swap3A_81 = tpu.vector_load %arg17[%swap3A] {strides = array<i32>} : memref<48xf32, #tpu.memory_space<vmem>>, vector<16xf32>,
    tpu.vector_store %arg17[%swap3A], %parallel_loop3A_80#0 {strides = array<i32>} : memref<48xf32, #tpu.memory_space<vmem>>, vector<16xf32>,
    %swap3A_82 = arith.constant 16 : index
    %swap3A_83 = tpu.vector_load %arg17[%swap3A_82] {strides = array<i32>} : memref<48xf32, #tpu.memory_space<vmem>>, vector<16xf32>,
    tpu.vector_store %arg17[%swap3A_82], %parallel_loop3A_80#1 {strides = array<i32>} : memref<48xf32, #tpu.memory_space<vmem>>, vector<16xf32>,
    %swap3A_84 = arith.constant 32 : index
    %swap3A_85 = tpu.vector_load %arg17[%swap3A_84] {strides = array<i32>} : memref<48xf32, #tpu.memory_space<vmem>>, vector<16xf32>,
    tpu.vector_store %arg17[%swap3A_84], %parallel_loop3A_80#2 {strides = array<i32>} : memref<48xf32, #tpu.memory_space<vmem>>, vector<16xf32>,
    "tpu.region"() ({
      %run_scoped3A = tpu.sem_alloc : memref<!tpu.dma_semaphore, #tpu.memory_space<semaphore_mem>>
      %dma_start3A_86 = arith.constant 0 : i32
      %dma_start3A_87 = tpu.memref_slice %arg8[%add3A, %dma_start3A_86] : memref<32x48xf32, #tpu.memory_space<hbm>> -> memref<1x48xf32, #tpu.memory_space<hbm>>
      %dma_start3A_88 = tpu.memref_squeeze %dma_start3A_87 : memref<1x48xf32, #tpu.memory_space<hbm>> -> memref<48xf32, #tpu.memory_space<hbm>>
      %dma_start3A_89 = arith.constant 0 : i32
      %dma_start3A_90 = tpu.memref_slice %arg8[%add3A, %dma_start3A_89] : memref<32x48xf32, #tpu.memory_space<hbm>> -> memref<1x48xf32, #tpu.memory_space<hbm>>
      %dma_start3A_91 = tpu.memref_squeeze %dma_start3A_90 : memref<1x48xf32, #tpu.memory_space<hbm>> -> memref<48xf32, #tpu.memory_space<hbm>>
      tpu.enqueue_dma source(%arg17 : memref<48xf32, #tpu.memory_space<vmem>>) target(%dma_start3A_91 : memref<48xf32, #tpu.memory_space<hbm>>) target_semaphore(%run_scoped3A : memref<!tpu.dma_semaphore, #tpu.memory_space<semaphore_mem>>)
      %dma_wait3A_92 = arith.constant 0 : i32
      %dma_wait3A_93 = tpu.memref_slice %arg8[%add3A, %dma_wait3A_92] : memref<32x48xf32, #tpu.memory_space<hbm>> -> memref<1x48xf32, #tpu.memory_space<hbm>>
      %dma_wait3A_94 = tpu.memref_squeeze %dma_wait3A_93 : memref<1x48xf32, #tpu.memory_space<hbm>> -> memref<48xf32, #tpu.memory_space<hbm>>
      %dma_wait3A_95 = arith.constant 0 : i32
      %dma_wait3A_96 = tpu.memref_slice %arg8[%add3A, %dma_wait3A_95] : memref<32x48xf32, #tpu.memory_space<hbm>> -> memref<1x48xf32, #tpu.memory_space<hbm>>
      %dma_wait3A_97 = tpu.memref_squeeze %dma_wait3A_96 : memref<1x48xf32, #tpu.memory_space<hbm>> -> memref<48xf32, #tpu.memory_space<hbm>>
      tpu.wait_dma2 semaphore(%run_scoped3A : memref<!tpu.dma_semaphore, #tpu.memory_space<semaphore_mem>>) src(%arg17 : memref<48xf32, #tpu.memory_space<vmem>>) dst(%dma_wait3A_97 : memref<48xf32, #tpu.memory_space<hbm>>)
      tpu.yield
    }) : () -> ()
    return
  }
}

</mosaic_0001>

<sc_bundles>
// kernel: kernel.3.cloned.1.call-start
scs
__scs_entry_jumppad:
0x0: {  	(pc) =	sbr.rel $0x88, $3  }
0x1: {  	(tag) =	ssettag $0x0;
	lr =	simm.s32 $0x1  }
0x2: {  	[smem:$0x3F9B] =	sst lr;
	_ =	strace $0xD0000000  }
0x3: {  	_ = 	snop  }
0x4: {  	_ = 	snop  }
0x5: {  	_ = 	snop  }
0x6: {  	_ = 	snop  }
0x7: {  	_ = 	snop  }
__scs_overlays_trampoline_lowered:
0x8: {  	[smem:$0x3FAA] =	sst s0  }
0x9: {  	[smem:$0x3FAB] =	sst s1  }
0xa: {  	[smem:$0x3FAC] =	sst s2  }
0xb: {  	[smem:$0x3FAD] =	sst s3  }
0xc: {  	[smem:$0x3FAE] =	sst s4  }
0xd: {  	[smem:$0x3FAF] =	sst s5  }
0xe: {  	[smem:$0x3FB0] =	sst s6  }
0xf: {  	[smem:$0x3FB1] =	sst s7  }
0x10: {  	[smem:$0x3FB2] =	sst s8  }
0x11: {  	[smem:$0x3FB3] =	sst s9;
	s0 =	simm.s32 @!p0 $0x0  }
0x12: {  	s1 =	sld [smem:$0x3F99];
	s0 =	simm.s32 @p0 $0x1  }
0x13: {  	[smem:$0x3FB4] =	sst s0;
	s0 =	simm.s32 @!p1 $0x0  }
0x14: {  	s2 =	sld [smem:$0x3F98];
	s0 =	simm.s32 @p1 $0x1  }
0x15: {  	[smem:$0x3FB5] =	sst s0;
	s0 =	simm.s32 @!p2 $0x0  }
0x16: {  	s3 =	sld [smem:$0x3FDB];
	s0 =	simm.s32 @p2 $0x1  }
0x17: {  	s4 =	simm.s32 $0x1BF5;
	[smem:$0x3FB7] =	sst s0  }
0x18: {  	s0 =	sld [smem:$0x3F9A];
	_ =	swait.ge [sflag:s4], $0x0  }
0x19: {  	s7 =	sld [smem:$0x3F9B]  }
0x1a: {  	s8 =	sadd.s32 $0xFFFFE003, lr  }
0x1b: {  	s9 =	sadd.s32 $0xFFFFFEF7, lr;
	s5 =	simm.s32 $0xFFFFFFFF;
	p2 =	slt.u32 s8, $0xFFFFF086  }
0x1c: {  	p1 =	slt.u32 s9, $0xF7A;
	s5 =	simm.s32 @!p2 $0x0  }
0x1d: {  	s5 =	simm.s32 @p1 $0x1;
	p0 =	seq.s32 s7, s2  }
0x1e: {  	s7 =	smul.u32 @!p0 $0xF7A, s2;
	p2 =	seq.s32 @!p0 s5, $0x0  }
0x1f: {  	s9 =	smul.u32 $0xF7A, s1;
	s8 =	simm.s32 @!p0 $0x1BF5;
	p2 =	por !p2, p0  }
0x20: {  	[sflag:s8] =	ssyncset.s32 @!p0 $0xFFFFF086;
	s6 =	sadd.s32 @!p0 s3, s7;
	s7 =	simm.s32 @!p0 $0x108  }
0x21: {  	s3 =	sadd.s32 s3, s9;
	s6 =	sadd.s32 @!p0 $0x88, s6;
	s7 =	simm.s32 @p2 $0x1082  }
0x22: {  	[simem:s7], [sflag:s8] =	dma.local @!p0 [hbm:s6], $0xF7A  }
0x23: {  	s9 =	sor.u32 $0xD0000000, s2;
	s6 =	simm.s32 $0x108;
	_ =	swait.ge @!p0 [sflag:s8], $0x0  }
0x24: {  	s3 =	sadd.s32 $0x88, s3;
	s6 =	simm.s32 @!p1 $0x1082;
	[sflag:s4] =	ssyncset.s32 $0xFFFFF086  }
0x25: {  	[simem:s6], [sflag:s4] =	dma.local [hbm:s3], $0xF7A  }
0x26: {  	[smem:$0x3F9B] =	sst s1;
	(tag) =	ssettag s2;
	_ =	strace s9  }
0x27: {  	s1 =	sld [smem:$0x3FAB]  }
0x28: {  	s2 =	sld [smem:$0x3FAC]  }
0x29: {  	s4 =	sld [smem:$0x3FAE]  }
0x2a: {  	p0 =	seq.s32 s5, $0x0;
	s5 =	sld [smem:$0x3FAF]  }
0x2b: {  	s6 =	sld [smem:$0x3FB0]  }
0x2c: {  	s7 =	sld [smem:$0x3FB1]  }
0x2d: {  	s3 =	simm.s32 $0x108;
	s8 =	sld [smem:$0x3FB2]  }
0x2e: {  	s3 =	simm.s32 @!p0 $0x1082;
	s9 =	sld [smem:$0x3FB3]  }
0x2f: {  	lr =	sadd.s32 s0, s3;
	s0 =	sld [smem:$0x3FAA]  }
0x30: {  	s3 =	sld [smem:$0x3FAD]  }
0x31: {  	[smem:$0x3FB6] =	sst s10  }
0x32: {  	s10 =	sld [smem:$0x3FB4];
	_ =	sdelay $0x3  }
0x33: {  	p0 =	seq.s32 s10, $0x1;
	s10 =	sld [smem:$0x3FB6];
	_ =	sdelay $0x3  }
0x34: {  	[smem:$0x3FB6] =	sst s10  }
0x35: {  	s10 =	sld [smem:$0x3FB5];
	_ =	sdelay $0x3  }
0x36: {  	p1 =	seq.s32 s10, $0x1;
	s10 =	sld [smem:$0x3FB6];
	_ =	sdelay $0x3  }
0x37: {  	[smem:$0x3FB6] =	sst s10  }
0x38: {  	s10 =	sld [smem:$0x3FB7]  }
0x39: {  	_ = 	snop;
	(pc) =	sbr.ind lr, $3  }
0x3a: {  	_ = 	snop  }
0x3b: {  	_ = 	snop  }
0x3c: {  	p2 =	seq.s32 s10, $0x1;
	s10 =	sld [smem:$0x3FB6]  }
0x3d: {  	_ =	shalt  }
0x3e: {  	_ =	shalt  }
0x3f: {  	_ =	shalt  }
0x40: {  	_ =	shalt  }
0x41: {  	_ =	shalt  }
0x42: {  	_ =	shalt  }
0x43: {  	_ =	shalt  }
0x44: {  	_ =	shalt  }
0x45: {  	_ =	shalt  }
0x46: {  	_ =	shalt  }
0x47: {  	_ =	shalt  }
0x48: {  	_ =	shalt  }
0x49: {  	_ =	shalt  }
0x4a: {  	_ =	shalt  }
0x4b: {  	_ =	shalt  }
0x4c: {  	_ =	shalt  }
0x4d: {  	_ =	shalt  }
0x4e: {  	_ =	shalt  }
0x4f: {  	_ =	shalt  }
0x50: {  	_ =	shalt  }
0x51: {  	_ =	shalt  }
0x52: {  	_ =	shalt  }
0x53: {  	_ =	shalt  }
0x54: {  	_ =	shalt  }
0x55: {  	_ =	shalt  }
0x56: {  	_ =	shalt  }
0x57: {  	_ =	shalt  }
0x58: {  	_ =	shalt  }
0x59: {  	_ =	shalt  }
0x5a: {  	_ =	shalt  }
0x5b: {  	_ =	shalt  }
0x5c: {  	_ =	shalt  }
0x5d: {  	_ =	shalt  }
0x5e: {  	_ =	shalt  }
0x5f: {  	_ =	shalt  }
0x60: {  	_ =	shalt  }
0x61: {  	_ =	shalt  }
0x62: {  	_ =	shalt  }
0x63: {  	_ =	shalt  }
0x64: {  	_ =	shalt  }
0x65: {  	_ =	shalt  }
0x66: {  	_ =	shalt  }
0x67: {  	_ =	shalt  }
0x68: {  	_ =	shalt  }
0x69: {  	_ =	shalt  }
0x6a: {  	_ =	shalt  }
0x6b: {  	_ =	shalt  }
0x6c: {  	_ =	shalt  }
0x6d: {  	_ =	shalt  }
0x6e: {  	_ =	shalt  }
0x6f: {  	_ =	shalt  }
0x70: {  	_ =	shalt  }
0x71: {  	_ =	shalt  }
0x72: {  	_ =	shalt  }
0x73: {  	_ =	shalt  }
0x74: {  	_ =	shalt  }
0x75: {  	_ =	shalt  }
0x76: {  	_ =	shalt  }
0x77: {  	_ =	shalt  }
0x78: {  	_ =	shalt  }
0x79: {  	_ =	shalt  }
0x7a: {  	_ =	shalt  }
0x7b: {  	_ =	shalt  }
0x7c: {  	_ =	shalt  }
0x7d: {  	_ =	shalt  }
0x7e: {  	_ =	shalt  }
0x7f: {  	_ =	shalt  }
0x80: {  	_ =	shalt  }
0x81: {  	_ =	shalt  }
0x82: {  	_ =	shalt  }
0x83: {  	_ =	shalt  }
0x84: {  	_ =	shalt  }
0x85: {  	_ =	shalt  }
0x86: {  	_ =	shalt  }
0x87: {  	_ =	shalt  }
.Lfunc_end0:
.L_simem_size_0:
called_computation_lowered:
.L_overlay_start_0:
0x88: {  	s2 =	sld [smem:$0x3FD9]  }
0x89: {  	s3 =	sld [smem:$0x3FFE];
	_ =	sdelay $0x1  }
0x8a: {  	s1 =	srdreg.scid  }
0x8b: {  	s0 =	sand.u32 $0x1, s1  }
0x8c: {  	s17 =	sshll.u32 s0, $0xA;
	s2 =	sadd.s32 s3, s2  }
0x8d: {  	s2 =	sadd.s32 s2, s17  }
0x8e: {  	[smem:$0x3FC2] =	sst s2  }
0x8f: {  	_ = 	snop  }
0x90: {  	s2 =	sld [smem:$0x3FC9]  }
0x91: {  	s18 =	sld [smem:$0x3FC8]  }
0x92: {  	s4 =	sld [smem:$0x3FC7]  }
0x93: {  	s5 =	sld [smem:$0x3FC6]  }
0x94: {  	s6 =	sld [smem:$0x3FC5]  }
0x95: {  	s7 =	sld [smem:$0x3FC4];
	(tm) =	ssettm $0x1  }
0x96: {  	s8 =	sld [smem:$0x3FFB];
	_ =	sdelay $0x3  }
0x97: {  	_ =	strace s8  }
0x98: {  	s8 =	sld [smem:$0x3FFC];
	_ =	sdelay $0x3  }
0x99: {  	_ =	strace s8  }
0x9a: {  	s8 =	sld [smem:$0x3FFD];
	_ =	sdelay $0x3  }
0x9b: {  	_ =	strace s8  }
0x9c: {  	_ =	strace $0x8FFFFFFF  }
0x9d: {  	s19 =	sld [smem:$0x3FDB];
	_ =	sdelay $0x1  }
0x9e: {  	s9 =	simm.s32 $_scs_section_size  }
0x9f: {  	s10 =	simm.s32 $_size__tile_overlayer_lowered;
	s11 =	simm.s32 $_tile_overlayer_lowered  }
0xa0: {  	s22 =	simm.s32 $0x1BFF;
	s21 =	sshll.u32 s11, $0x1;
	s8 =	sadd.s32 s9, s19  }
0xa1: {  	s12 =	simm.s32 $0x0;
	s20 =	sshll.u32 s10, $0x1;
	s10 =	sadd.s32 s21, s8  }
0xa2: {  	[timem:s12], [sflag:s22] =	dma.local [hbm:s10], s20  }
0xa3: {  	_ =	swait.ge [sflag:s22], s20  }
0xa4: {  	s9 =	ssub.s32 $0x0, s20;
	[sflag:s22] =	ssyncset.done $0x0  }
0xa5: {  	[sflag:s22] =	ssyncadd.s32 s9;
	_ =	sdelay $0x1  }
0xa6: {  	s23 =	simm.s32 $0x1B8B  }
0xa7: {  	_ =	swait.ge [sflag:s23], $0x1  }
0xa8: {  	[sflag:s23] =	ssyncset.done $0x0  }
0xa9: {  	s25 =	simm.s32 $0x1B8E;
	s24 =	sld [smem:$0x3FFE];
	[sflag:s23] =	ssyncadd.s32 $0xFFFFFFFF  }
0xaa: {  	s26 =	simm.s32 $execute0_lowered;
	[smem:$0x3FD2] =	sst s25  }
0xab: {  	s10 =	sshll.u32 s26, $0x1;
	_ =	strace $0x80000046;
	[dreg:$0x1] =	wrdreg $0xFFFFFFFF  }
0xac: {  	s28 =	simm.s32 $_size_execute0_lowered;
	s8 =	sadd.s32 s8, s10;
	[dreg:$0x0] =	wrdreg $0x0  }
0xad: {  	s10 =	sshll.u32 s28, $0x1;
	[dreg:$0x2] =	wrdreg s8  }
0xae: {  	[dreg:$0x3] =	wrdreg s10  }
0xaf: {  	[dreg:$0x4] =	wrdreg $0xC0  }
0xb0: {  	_ =	task [dreg:s12], $0x5FFFF  }
0xb1: {  	[dreg:$0x1] =	wrdreg $0xFFFFFFFF  }
0xb2: {  	[dreg:$0x0] =	wrdreg $0x60  }
0xb3: {  	[dreg:$0x2] =	wrdreg s18  }
0xb4: {  	[dreg:$0x3] =	wrdreg s5  }
0xb5: {  	[dreg:$0x4] =	wrdreg s2  }
0xb6: {  	[dreg:$0x5] =	wrdreg s4  }
0xb7: {  	[dreg:$0x6] =	wrdreg s6  }
0xb8: {  	[dreg:$0x7] =	wrdreg s7  }
0xb9: {  	[dreg:$0x8] =	wrdreg s24  }
0xba: {  	[dreg:$0x9] =	wrdreg $0x9  }
0xbb: {  	_ =	task.clear_ibuf [dreg:s12], $0xAFFFF;
	_ =	strace $0x90000046  }
0xbc: {  	s29 =	simm.s32 $0x9;
	_ =	strace $0x80000048  }
0xbd: {  	_ =	swait.ge [sflag:s29], $0x1  }
0xbe: {  	[sflag:s29] =	ssyncadd.s32 $0xFFFFFFFF  }
0xbf: {  	_ =	strace $0x90000048  }
0xc0: {  	_ =	sfence  }
0xc1: {  	s30 =	sld [smem:$0x0];
	_ =	sdelay $0x2  }
0xc2: {  	s31 =	sshll.u32 s1, $0xD;
	s1 =	sshrl.u32 s1, $0x2  }
0xc3: {  	s3 =	sand.u32 $0x4000, s31;
	s1 =	sadd.s32 s1, s30  }
0xc4: {  	s0 =	sor.u32 s3, s0;
	s1 =	sshll.u32 s1, $0x11  }
0xc5: {  	s0 =	sor.u32 s1, s0  }
0xc6: {  	s0 =	sadd.s32 $0x8F2B, s0  }
0xc7: {  	[sflag:s0] =	ssyncadd.remote.s32 $0x1  }
0xc8: {  	_ =	sfence.sel $0xFFFF  }
0xc9: {  	[dreg:$0x0] =	wrdreg $0xFFFFFFFF;
	(pc) =	sbr.abs _section_cstart, $3  }
0xca: {  	[dreg:$0x1] =	wrdreg $0xFFFFFFFF  }
0xcb: {  	_ =	task.clear_ibuf [dreg:s12], $0x2FFFF;
	_ =	strace $0x9FFFFFFF  }
0xcc: {  	(tm) =	ssettm $0x7FFFFFFF  }
0xcd: {  	_ =	shalt  }
tec
execute0_lowered:
.L_overlay_start_1:
0x0: {  	(tag) =	ssettag $0x1  }
0x1: {  	s0 =	rddreg [dreg:$0x0]  }
0x2: {  	s1 =	rddreg [dreg:$0x1]  }
0x3: {  	s5 =	rddreg [dreg:$0x2]  }
0x4: {  	s6 =	rddreg [dreg:$0x3]  }
0x5: {  	s3 =	srdreg.scid;
	s15 =	stileid.u32  }
0x6: {  	s7 =	rddreg [dreg:$0x4];
	s3 =	sand.u32 $0x1, s3;
	s4 =	sshll.u32 s15, $0x1  }
0x7: {  	s8 =	rddreg [dreg:$0x5];
	s9 =	sor.u32 s3, s4  }
0x8: {  	s2 =	simm.s32 $0x0;
	s21 =	sshrl.u32 s15, $0x1;
	s10 =	sshll.u32 s9, $0x8  }
0x9: {  	[smem:$0x7FF] =	sst s2;
	s4 =	sshll.u32 s21, $0xA;
	s13 =	sand.u32 $0x300, s10  }
0xa: {  	s11 =	rddreg [dreg:$0x6];
	_ =	strace $0x80000047;
	s4 =	sor.u32 s4, s13  }
0xb: {  	s3 =	ssub.s32 $0x2, s3;
	s14 =	sshll.u32 s21, $0xD;
	s24 =	sshrl.u32 s4, $0x3  }
0xc: {  	s12 =	sshrl.u32 s3, $0x1;
	s22 =	sor.u32 s14, s13;
	s5 =	sadd.s32 s5, s24  }
0xd: {  	s14 =	sshrl.u32 s22, $0x3;
	s6 =	sadd.s32 s6, s24;
	[dreg:$0x8] =	wrdreg s5  }
0xe: {  	s12 =	ssub.s32 s3, s12;
	s26 =	sadd.s32 s7, s14;
	[dreg:$0x9] =	wrdreg s6  }
0xf: {  	s3 =	sadd.s32 s0, s14;
	s30 =	sadd.s32 s8, s14;
	[dreg:$0xa] =	wrdreg s26  }
0x10: {  	[dreg:$0xb] =	wrdreg s30;
	s6 =	sadd.s32 $0x80, s3  }
0x11: {  	s7 =	sadd.s32 $0x100, s3;
	[dreg:$0xe] =	wrdreg s6  }
0x12: {  	s8 =	sadd.s32 $0x180, s3;
	[dreg:$0xf] =	wrdreg s7  }
0x13: {  	s13 =	sadd.s32 $0x300, s3;
	[dreg:$0x10] =	wrdreg s8  }
0x14: {  	s4 =	sadd.s32 s1, s14;
	s14 =	sadd.s32 $0x380, s3;
	[dreg:$0x13] =	wrdreg s13  }
0x15: {  	s23 =	sshll.u32 s15, $0xC;
	s15 =	sadd.s32 $0x10000, s3;
	[dreg:$0x14] =	wrdreg s14  }
0x16: {  	s16 =	sadd.s32 $0x10080, s3;
	[dreg:$0x15] =	wrdreg s15  }
0x17: {  	s17 =	sadd.s32 $0x10100, s3;
	[dreg:$0x16] =	wrdreg s16  }
0x18: {  	s18 =	sadd.s32 $0x10180, s3;
	[dreg:$0x17] =	wrdreg s17  }
0x19: {  	s19 =	sadd.s32 $0x10200, s3;
	[dreg:$0x18] =	wrdreg s18  }
0x1a: {  	s20 =	sadd.s32 $0x10280, s3;
	[dreg:$0x19] =	wrdreg s19  }
0x1b: {  	s21 =	sadd.s32 $0x10300, s3;
	[dreg:$0x1a] =	wrdreg s20  }
0x1c: {  	s28 =	simm.s32 $0x2;
	s22 =	sadd.s32 $0x10380, s3;
	[dreg:$0x1b] =	wrdreg s21  }
0x1d: {  	s10 =	sor.u32 s10, s23;
	s23 =	sadd.s32 $0x80, s4;
	[dreg:$0x1c] =	wrdreg s22  }
0x1e: {  	s25 =	sand.u32 $0xE300, s10;
	s24 =	sadd.s32 $0x100, s4;
	[dreg:$0x1d] =	wrdreg s23  }
0x1f: {  	s5 =	sshrl.u32 s25, $0x3;
	s25 =	sadd.s32 $0x180, s4;
	[dreg:$0x1e] =	wrdreg s24  }
0x20: {  	s29 =	simm.s32 $0x0;
	s26 =	sadd.s32 $0x200, s4;
	[dreg:$0x1f] =	wrdreg s25  }
0x21: {  	s31 =	sshll.u32 s9, $0x4;
	s30 =	sadd.s32 $0x280, s4;
	[smem:$0x7FB] =	sst s26  }
0x22: {  	s5 =	sor.u32 $0x10, s5;
	[smem:$0x7FC] =	sst s30;
	s6 =	sadd.s32 $0x380, s4  }
0x23: {  	s7 =	sadd.s32 $0x10000, s4;
	s8 =	sadd.s32 $0x10080, s4;
	s13 =	sadd.s32 $0x10200, s4  }
0x24: {  	s14 =	sadd.s32 $0x10280, s4;
	s15 =	sadd.s32 $0x10300, s4;
	s16 =	sadd.s32 $0x10380, s4  }
0x25: {  	s17 =	simm.s32 $0x80;
	s18 =	simm.s32 $0x10000;
	s19 =	simm.s32 $0x400  }
0x26: {  	s20 =	simm.s32 $0x4000;
	s21 =	simm.s32 $0x3;
	s22 =	simm.s32 $0x10100  }
0x27: {  	s23 =	simm.s32 $0x100;
	s10 =	sadd.s32 s1, s5;
	s1 =	sadd.s32 s11, s31  }
0x28: {  	s9 =	sadd.s32 s0, s5;
	s5 =	smax.u32 s12, $0x1;
	[dreg:$0xc] =	wrdreg s1  }
0x29: {  	v0 =	vlaneseq.u32;
	s24 =	simm.s32 $0x8000;
	s11 =	sadd.s32 $0x200, s3;
	[dreg:$0xd] =	wrdreg s5  }
0x2a: {  	v1 =	vor.u32 $0x10, v0;
	s25 =	simm.s32 $0xC000;
	s12 =	sadd.s32 $0x280, s3;
	[dreg:$0x11] =	wrdreg s11  }
0x2b: {  	v2 =	vor.u32 $0x20, v0;
	v3 =	vor.u32 $0x30, v0;
	v4 =	vor.u32 $0x40, v0;
	s26 =	simm.s32 $0x1;
	s31 =	sadd.s32 $0x300, s4;
	[dreg:$0x12] =	wrdreg s12  }
0x2c: {  	v5 =	vor.u32 $0x50, v0;
	v6 =	vor.u32 $0x60, v0;
	v7 =	vor.u32 $0x70, v0;
	[smem:$0x7FD] =	sst s31;
	s11 =	sadd.s32 $0x10100, s4;
	s12 =	sadd.s32 $0x10180, s4  }
.LBB2_1:
0x2d: {  	[tilespmem:s2], [sflag:$0x1] =	stream.strided.gather [hbm4b:s3+s17], $0x400, s18, s17, $0x38;
	[tilespmem:$0x11280] =	vst v63  }
0x2e: {  	s0 =	rddreg [dreg:$0xe]  }
0x2f: {  	[tilespmem:s19], [sflag:$0x1] =	stream.strided.gather [hbm4b:s0+s17], $0x400, s18, s17, $0x38;
	[tilespmem:$0x11280] =	vst v63  }
0x30: {  	s5 =	rddreg [dreg:$0xf];
	s1 =	simm.s32 $0x800  }
0x31: {  	[tilespmem:s1], [sflag:$0x1] =	stream.strided.gather [hbm4b:s5+s17], $0x400, s18, s17, $0x38;
	[tilespmem:$0x11280] =	vst v63  }
0x32: {  	s1 =	rddreg [dreg:$0x10];
	s5 =	simm.s32 $0xC00  }
0x33: {  	[tilespmem:s5], [sflag:$0x1] =	stream.strided.gather [hbm4b:s1+s17], $0x400, s18, s17, $0x38;
	[tilespmem:$0x11280] =	vst v63  }
0x34: {  	s1 =	rddreg [dreg:$0x11];
	s5 =	simm.s32 $0x1000  }
0x35: {  	[tilespmem:s5], [sflag:$0x1] =	stream.strided.gather [hbm4b:s1+s17], $0x400, s18, s17, $0x38;
	[tilespmem:$0x11280] =	vst v63  }
0x36: {  	s1 =	rddreg [dreg:$0x12];
	s5 =	simm.s32 $0x1400  }
0x37: {  	[tilespmem:s5], [sflag:$0x1] =	stream.strided.gather [hbm4b:s1+s17], $0x400, s18, s17, $0x38;
	[tilespmem:$0x11280] =	vst v63  }
0x38: {  	s1 =	rddreg [dreg:$0x13];
	s5 =	simm.s32 $0x1800  }
0x39: {  	[tilespmem:s5], [sflag:$0x1] =	stream.strided.gather [hbm4b:s1+s17], $0x400, s18, s17, $0x38;
	[tilespmem:$0x11280] =	vst v63  }
0x3a: {  	s1 =	rddreg [dreg:$0x14];
	s5 =	simm.s32 $0x1C00  }
0x3b: {  	[tilespmem:s5], [sflag:$0x1] =	stream.strided.gather [hbm4b:s1+s17], $0x400, s18, s17, $0x38;
	[tilespmem:$0x11280] =	vst v63  }
0x3c: {  	s1 =	rddreg [dreg:$0x15];
	s5 =	simm.s32 $0x2000  }
0x3d: {  	[tilespmem:s5], [sflag:$0x1] =	stream.strided.gather [hbm4b:s1+s17], $0x200, s18, s17, $0x38;
	[tilespmem:$0x11280] =	vst v63  }
0x3e: {  	s1 =	rddreg [dreg:$0x16];
	s5 =	simm.s32 $0x2400  }
0x3f: {  	[tilespmem:s5], [sflag:$0x1] =	stream.strided.gather [hbm4b:s1+s17], $0x200, s18, s17, $0x38;
	[tilespmem:$0x11280] =	vst v63  }
0x40: {  	s1 =	rddreg [dreg:$0x17];
	s5 =	simm.s32 $0x2800  }
0x41: {  	[tilespmem:s5], [sflag:$0x1] =	stream.strided.gather [hbm4b:s1+s17], $0x200, s18, s17, $0x38;
	[tilespmem:$0x11280] =	vst v63  }
0x42: {  	s1 =	rddreg [dreg:$0x18];
	s5 =	simm.s32 $0x2C00  }
0x43: {  	[tilespmem:s5], [sflag:$0x1] =	stream.strided.gather [hbm4b:s1+s17], $0x200, s18, s17, $0x38;
	[tilespmem:$0x11280] =	vst v63  }
0x44: {  	s1 =	rddreg [dreg:$0x19];
	s5 =	simm.s32 $0x3000  }
0x45: {  	[tilespmem:s5], [sflag:$0x1] =	stream.strided.gather [hbm4b:s1+s17], $0x200, s18, s17, $0x38;
	[tilespmem:$0x11280] =	vst v63  }
0x46: {  	s1 =	rddreg [dreg:$0x1a];
	s5 =	simm.s32 $0x3400  }
0x47: {  	[tilespmem:s5], [sflag:$0x1] =	stream.strided.gather [hbm4b:s1+s17], $0x200, s18, s17, $0x38;
	[tilespmem:$0x11280] =	vst v63  }
0x48: {  	s1 =	rddreg [dreg:$0x1b];
	s5 =	simm.s32 $0x3800  }
0x49: {  	[tilespmem:s5], [sflag:$0x1] =	stream.strided.gather [hbm4b:s1+s17], $0x200, s18, s17, $0x38;
	[tilespmem:$0x11280] =	vst v63  }
0x4a: {  	s1 =	rddreg [dreg:$0x1c];
	s5 =	simm.s32 $0x3C00  }
0x4b: {  	[tilespmem:s5], [sflag:$0x1] =	stream.strided.gather [hbm4b:s1+s17], $0x200, s18, s17, $0x38;
	[tilespmem:$0x11280] =	vst v63  }
0x4c: {  	_ = 	snop  }
0x4d: {  	[tilespmem:s20], [sflag:$0x1] =	stream.strided.gather [hbm4b:s4+s17], $0x400, s18, s17, $0x38;
	[tilespmem:$0x11280] =	vst v63  }
0x4e: {  	s1 =	rddreg [dreg:$0x1d];
	s5 =	simm.s32 $0x4400  }
0x4f: {  	[tilespmem:s5], [sflag:$0x1] =	stream.strided.gather [hbm4b:s1+s17], $0x400, s18, s17, $0x38;
	[tilespmem:$0x11280] =	vst v63  }
0x50: {  	s1 =	rddreg [dreg:$0x1e];
	s5 =	simm.s32 $0x4800  }
0x51: {  	[tilespmem:s5], [sflag:$0x1] =	stream.strided.gather [hbm4b:s1+s17], $0x400, s18, s17, $0x38;
	[tilespmem:$0x11280] =	vst v63  }
0x52: {  	s1 =	rddreg [dreg:$0x1f];
	s5 =	simm.s32 $0x4C00  }
0x53: {  	[tilespmem:s5], [sflag:$0x1] =	stream.strided.gather [hbm4b:s1+s17], $0x400, s18, s17, $0x38;
	[tilespmem:$0x11280] =	vst v63  }
0x54: {  	s1 =	sld [smem:$0x7FB];
	_ =	sdelay $0x1  }
0x55: {  	s5 =	simm.s32 $0x5000  }
0x56: {  	[tilespmem:s5], [sflag:$0x1] =	stream.strided.gather [hbm4b:s1+s17], $0x400, s18, s17, $0x38;
	[tilespmem:$0x11280] =	vst v63  }
0x57: {  	s1 =	sld [smem:$0x7FC];
	_ =	sdelay $0x1  }
0x58: {  	s5 =	simm.s32 $0x5400  }
0x59: {  	[tilespmem:s5], [sflag:$0x1] =	stream.strided.gather [hbm4b:s1+s17], $0x400, s18, s17, $0x38;
	[tilespmem:$0x11280] =	vst v63  }
0x5a: {  	s1 =	sld [smem:$0x7FD];
	_ =	sdelay $0x1  }
0x5b: {  	s5 =	simm.s32 $0x5800  }
0x5c: {  	[tilespmem:s5], [sflag:$0x1] =	stream.strided.gather [hbm4b:s1+s17], $0x400, s18, s17, $0x38;
	[tilespmem:$0x11280] =	vst v63  }
0x5d: {  	s5 =	simm.s32 $0x5C00  }
0x5e: {  	[tilespmem:s5], [sflag:$0x1] =	stream.strided.gather [hbm4b:s6+s17], $0x400, s18, s17, $0x38;
	[tilespmem:$0x11280] =	vst v63  }
0x5f: {  	s1 =	simm.s32 $0x6000  }
0x60: {  	[tilespmem:s1], [sflag:$0x1] =	stream.strided.gather [hbm4b:s7+s17], $0x200, s18, s17, $0x38;
	[tilespmem:$0x11280] =	vst v63  }
0x61: {  	s5 =	simm.s32 $0x6400  }
0x62: {  	[tilespmem:s5], [sflag:$0x1] =	stream.strided.gather [hbm4b:s8+s17], $0x200, s18, s17, $0x38;
	[tilespmem:$0x11280] =	vst v63  }
0x63: {  	s1 =	simm.s32 $0x6800  }
0x64: {  	[tilespmem:s1], [sflag:$0x1] =	stream.strided.gather [hbm4b:s11+s17], $0x200, s18, s17, $0x38;
	[tilespmem:$0x11280] =	vst v63  }
0x65: {  	s5 =	simm.s32 $0x6C00  }
0x66: {  	[tilespmem:s5], [sflag:$0x1] =	stream.strided.gather [hbm4b:s12+s17], $0x200, s18, s17, $0x38;
	[tilespmem:$0x11280] =	vst v63  }
0x67: {  	s1 =	simm.s32 $0x7000  }
0x68: {  	[tilespmem:s1], [sflag:$0x1] =	stream.strided.gather [hbm4b:s13+s17], $0x200, s18, s17, $0x38;
	[tilespmem:$0x11280] =	vst v63  }
0x69: {  	s5 =	simm.s32 $0x7400  }
0x6a: {  	[tilespmem:s5], [sflag:$0x1] =	stream.strided.gather [hbm4b:s14+s17], $0x200, s18, s17, $0x38;
	[tilespmem:$0x11280] =	vst v63  }
0x6b: {  	s1 =	simm.s32 $0x7800  }
0x6c: {  	[tilespmem:s1], [sflag:$0x1] =	stream.strided.gather [hbm4b:s15+s17], $0x200, s18, s17, $0x38;
	[tilespmem:$0x11280] =	vst v63  }
0x6d: {  	s5 =	simm.s32 $0x7C00  }
0x6e: {  	[tilespmem:s5], [sflag:$0x1] =	stream.strided.gather [hbm4b:s16+s17], $0x200, s18, s17, $0x38;
	[tilespmem:$0x11280] =	vst v63  }
0x6f: {  	s1 =	rddreg [dreg:$0x8]  }
0x70: {  	[tilespmem:s18], [sflag:$0x3] =	stream.linear.gather [hbm4b:s1+s2], $0x100, $0x38;
	[tilespmem:$0x11280] =	vst v63  }
0x71: {  	_ =	swait.ge [sflag:s21], $0x100  }
0x72: {  	[sflag:s21] =	ssyncset.done $0x0  }
0x73: {  	s5 =	rddreg [dreg:$0x9];
	[sflag:s21] =	ssyncadd.s32 $0xFFFFFF00  }
0x74: {  	[tilespmem:s22], [sflag:$0x3] =	stream.linear.gather [hbm4b:s5+s2], $0x100, $0x38;
	[tilespmem:$0x11280] =	vst v63  }
0x75: {  	_ =	swait.ge [sflag:s21], $0x100  }
0x76: {  	[sflag:s21] =	ssyncset.done $0x0  }
0x77: {  	s5 =	simm.s32 $0x10200;
	s1 =	rddreg [dreg:$0xa];
	[sflag:s21] =	ssyncadd.s32 $0xFFFFFF00  }
0x78: {  	[tilespmem:s5], [sflag:$0x3] =	stream.strided.gather [hbm4b:s1+s23], $0x800, s19, s23, $0x38;
	[tilespmem:$0x11280] =	vst v63  }
0x79: {  	_ =	swait.ge [sflag:s21], $0x800  }
0x7a: {  	[sflag:s21] =	ssyncset.done $0x0  }
0x7b: {  	s5 =	simm.s32 $0x10A00;
	s1 =	rddreg [dreg:$0xb];
	[sflag:s21] =	ssyncadd.s32 $0xFFFFF800  }
0x7c: {  	[tilespmem:s5], [sflag:$0x3] =	stream.strided.gather [hbm4b:s1+s23], $0x800, s19, s23, $0x38;
	[tilespmem:$0x11280] =	vst v63  }
0x7d: {  	_ =	swait.ge [sflag:s21], $0x800  }
0x7e: {  	[sflag:s21] =	ssyncset.done $0x0  }
0x7f: {  	[sflag:s21] =	ssyncadd.s32 $0xFFFFF800  }
0x80: {  	[tilespmem:s24], [sflag:$0x2] =	stream.strided.gather [hbm4b:s9+s17], $0x400, s18, s17, $0x38;
	[tilespmem:$0x11280] =	vst v63  }
0x81: {  	s1 =	sadd.s32 $0x80, s9;
	s5 =	simm.s32 $0x8400  }
0x82: {  	[tilespmem:s5], [sflag:$0x2] =	stream.strided.gather [hbm4b:s1+s17], $0x400, s18, s17, $0x38;
	[tilespmem:$0x11280] =	vst v63  }
0x83: {  	s1 =	sadd.s32 $0x100, s9;
	s5 =	simm.s32 $0x8800  }
0x84: {  	[tilespmem:s5], [sflag:$0x2] =	stream.strided.gather [hbm4b:s1+s17], $0x400, s18, s17, $0x38;
	[tilespmem:$0x11280] =	vst v63  }
0x85: {  	s1 =	sadd.s32 $0x180, s9;
	s5 =	simm.s32 $0x8C00  }
0x86: {  	[tilespmem:s5], [sflag:$0x2] =	stream.strided.gather [hbm4b:s1+s17], $0x400, s18, s17, $0x38;
	[tilespmem:$0x11280] =	vst v63  }
0x87: {  	s1 =	sadd.s32 $0x200, s9;
	s5 =	simm.s32 $0x9000  }
0x88: {  	[tilespmem:s5], [sflag:$0x2] =	stream.strided.gather [hbm4b:s1+s17], $0x400, s18, s17, $0x38;
	[tilespmem:$0x11280] =	vst v63  }
0x89: {  	s1 =	sadd.s32 $0x280, s9;
	s5 =	simm.s32 $0x9400  }
0x8a: {  	[tilespmem:s5], [sflag:$0x2] =	stream.strided.gather [hbm4b:s1+s17], $0x400, s18, s17, $0x38;
	[tilespmem:$0x11280] =	vst v63  }
0x8b: {  	s1 =	sadd.s32 $0x300, s9;
	s5 =	simm.s32 $0x9800  }
0x8c: {  	[tilespmem:s5], [sflag:$0x2] =	stream.strided.gather [hbm4b:s1+s17], $0x400, s18, s17, $0x38;
	[tilespmem:$0x11280] =	vst v63  }
0x8d: {  	s1 =	sadd.s32 $0x380, s9;
	s5 =	simm.s32 $0x9C00  }
0x8e: {  	[tilespmem:s5], [sflag:$0x2] =	stream.strided.gather [hbm4b:s1+s17], $0x400, s18, s17, $0x38;
	[tilespmem:$0x11280] =	vst v63  }
0x8f: {  	s0 =	sadd.s32 $0x10000, s9;
	s5 =	simm.s32 $0xA000  }
0x90: {  	[tilespmem:s5], [sflag:$0x2] =	stream.strided.gather [hbm4b:s0+s17], $0x200, s18, s17, $0x38;
	[tilespmem:$0x11280] =	vst v63  }
0x91: {  	s1 =	sadd.s32 $0x80, s0;
	s5 =	simm.s32 $0xA400  }
0x92: {  	[tilespmem:s5], [sflag:$0x2] =	stream.strided.gather [hbm4b:s1+s17], $0x200, s18, s17, $0x38;
	[tilespmem:$0x11280] =	vst v63  }
0x93: {  	s1 =	sadd.s32 $0x100, s0;
	s5 =	simm.s32 $0xA800  }
0x94: {  	[tilespmem:s5], [sflag:$0x2] =	stream.strided.gather [hbm4b:s1+s17], $0x200, s18, s17, $0x38;
	[tilespmem:$0x11280] =	vst v63  }
0x95: {  	s1 =	sadd.s32 $0x180, s0;
	s5 =	simm.s32 $0xAC00  }
0x96: {  	[tilespmem:s5], [sflag:$0x2] =	stream.strided.gather [hbm4b:s1+s17], $0x200, s18, s17, $0x38;
	[tilespmem:$0x11280] =	vst v63  }
0x97: {  	s1 =	sadd.s32 $0x200, s0;
	s5 =	simm.s32 $0xB000  }
0x98: {  	[tilespmem:s5], [sflag:$0x2] =	stream.strided.gather [hbm4b:s1+s17], $0x200, s18, s17, $0x38;
	[tilespmem:$0x11280] =	vst v63  }
0x99: {  	s1 =	sadd.s32 $0x280, s0;
	s5 =	simm.s32 $0xB400  }
0x9a: {  	[tilespmem:s5], [sflag:$0x2] =	stream.strided.gather [hbm4b:s1+s17], $0x200, s18, s17, $0x38;
	[tilespmem:$0x11280] =	vst v63  }
0x9b: {  	s1 =	sadd.s32 $0x300, s0;
	s5 =	simm.s32 $0xB800  }
0x9c: {  	[tilespmem:s5], [sflag:$0x2] =	stream.strided.gather [hbm4b:s1+s17], $0x200, s18, s17, $0x38;
	[tilespmem:$0x11280] =	vst v63  }
0x9d: {  	s0 =	sadd.s32 $0x380, s0;
	s5 =	simm.s32 $0xBC00  }
0x9e: {  	[tilespmem:s5], [sflag:$0x2] =	stream.strided.gather [hbm4b:s0+s17], $0x200, s18, s17, $0x38;
	[tilespmem:$0x11280] =	vst v63  }
0x9f: {  	_ = 	snop  }
0xa0: {  	[tilespmem:s25], [sflag:$0x2] =	stream.strided.gather [hbm4b:s10+s17], $0x400, s18, s17, $0x38;
	[tilespmem:$0x11280] =	vst v63  }
0xa1: {  	s1 =	sadd.s32 $0x80, s10;
	s5 =	simm.s32 $0xC400  }
0xa2: {  	[tilespmem:s5], [sflag:$0x2] =	stream.strided.gather [hbm4b:s1+s17], $0x400, s18, s17, $0x38;
	[tilespmem:$0x11280] =	vst v63  }
0xa3: {  	s1 =	sadd.s32 $0x100, s10;
	s5 =	simm.s32 $0xC800  }
0xa4: {  	[tilespmem:s5], [sflag:$0x2] =	stream.strided.gather [hbm4b:s1+s17], $0x400, s18, s17, $0x38;
	[tilespmem:$0x11280] =	vst v63  }
0xa5: {  	s1 =	sadd.s32 $0x180, s10;
	s5 =	simm.s32 $0xCC00  }
0xa6: {  	[tilespmem:s5], [sflag:$0x2] =	stream.strided.gather [hbm4b:s1+s17], $0x400, s18, s17, $0x38;
	[tilespmem:$0x11280] =	vst v63  }
0xa7: {  	s1 =	sadd.s32 $0x200, s10;
	s5 =	simm.s32 $0xD000  }
0xa8: {  	[tilespmem:s5], [sflag:$0x2] =	stream.strided.gather [hbm4b:s1+s17], $0x400, s18, s17, $0x38;
	[tilespmem:$0x11280] =	vst v63  }
0xa9: {  	s1 =	sadd.s32 $0x280, s10;
	s5 =	simm.s32 $0xD400  }
0xaa: {  	[tilespmem:s5], [sflag:$0x2] =	stream.strided.gather [hbm4b:s1+s17], $0x400, s18, s17, $0x38;
	[tilespmem:$0x11280] =	vst v63  }
0xab: {  	s1 =	sadd.s32 $0x300, s10;
	s5 =	simm.s32 $0xD800  }
0xac: {  	[tilespmem:s5], [sflag:$0x2] =	stream.strided.gather [hbm4b:s1+s17], $0x400, s18, s17, $0x38;
	[tilespmem:$0x11280] =	vst v63  }
0xad: {  	s1 =	sadd.s32 $0x380, s10;
	s5 =	simm.s32 $0xDC00  }
0xae: {  	[tilespmem:s5], [sflag:$0x2] =	stream.strided.gather [hbm4b:s1+s17], $0x400, s18, s17, $0x38;
	[tilespmem:$0x11280] =	vst v63  }
0xaf: {  	s0 =	sadd.s32 $0x10000, s10;
	s5 =	simm.s32 $0xE000  }
0xb0: {  	[tilespmem:s5], [sflag:$0x2] =	stream.strided.gather [hbm4b:s0+s17], $0x200, s18, s17, $0x38;
	[tilespmem:$0x11280] =	vst v63  }
0xb1: {  	s1 =	sadd.s32 $0x80, s0;
	s5 =	simm.s32 $0xE400  }
0xb2: {  	[tilespmem:s5], [sflag:$0x2] =	stream.strided.gather [hbm4b:s1+s17], $0x200, s18, s17, $0x38;
	[tilespmem:$0x11280] =	vst v63  }
0xb3: {  	s1 =	sadd.s32 $0x100, s0;
	s5 =	simm.s32 $0xE800  }
0xb4: {  	[tilespmem:s5], [sflag:$0x2] =	stream.strided.gather [hbm4b:s1+s17], $0x200, s18, s17, $0x38;
	[tilespmem:$0x11280] =	vst v63  }
0xb5: {  	s1 =	sadd.s32 $0x180, s0;
	s5 =	simm.s32 $0xEC00  }
0xb6: {  	[tilespmem:s5], [sflag:$0x2] =	stream.strided.gather [hbm4b:s1+s17], $0x200, s18, s17, $0x38;
	[tilespmem:$0x11280] =	vst v63  }
0xb7: {  	s1 =	sadd.s32 $0x200, s0;
	s5 =	simm.s32 $0xF000  }
0xb8: {  	[tilespmem:s5], [sflag:$0x2] =	stream.strided.gather [hbm4b:s1+s17], $0x200, s18, s17, $0x38;
	[tilespmem:$0x11280] =	vst v63  }
0xb9: {  	s1 =	sadd.s32 $0x280, s0;
	s5 =	simm.s32 $0xF400  }
0xba: {  	[tilespmem:s5], [sflag:$0x2] =	stream.strided.gather [hbm4b:s1+s17], $0x200, s18, s17, $0x38;
	[tilespmem:$0x11280] =	vst v63  }
0xbb: {  	s1 =	sadd.s32 $0x300, s0;
	s5 =	simm.s32 $0xF800  }
0xbc: {  	[tilespmem:s5], [sflag:$0x2] =	stream.strided.gather [hbm4b:s1+s17], $0x200, s18, s17, $0x38;
	[tilespmem:$0x11280] =	vst v63  }
0xbd: {  	s0 =	sadd.s32 $0x380, s0;
	s5 =	simm.s32 $0xFC00  }
0xbe: {  	[tilespmem:s5], [sflag:$0x2] =	stream.strided.gather [hbm4b:s0+s17], $0x200, s18, s17, $0x38;
	[tilespmem:$0x11280] =	vst v63  }
0xbf: {  	_ =	swait.ge [sflag:s26], $0x3000  }
0xc0: {  	[sflag:s26] =	ssyncset.done $0x0  }
0xc1: {  	[sflag:s26] =	ssyncadd.s32 $0xFFFFD000  }
0xc2: {  	s30 =	simm.s32 $0x0;
	_ =	swait.ge [sflag:s26], $0x3000  }
0xc3: {  	s31 =	simm.s32 $0x0;
	s1 =	simm.s32 $0x10A40;
	[sflag:s26] =	ssyncset.done $0x0  }
0xc4: {  	v9 =	vimm.f32 $0.0e+00;
	v10 =	vimm.f32 $0.0e+00;
	v11 =	vimm.f32 $0.0e+00;
	s0 =	simm.s32 $0xFFFFFFF8;
	s5 =	simm.s32 $0x10240;
	[sflag:s26] =	ssyncadd.s32 $0xFFFFD000  }
.LBB2_2:
0xc5: {  	v8 =	vld [tilespmem:s31+$0x0]  }
0xc6: {  	v12 =	vld [tilespmem:s31+$0x80]  }
0xc7: {  	v13 =	vld [tilespmem:s31+$0x100]  }
0xc8: {  	v15 =	vld [tilespmem:s31+$0x180]  }
0xc9: {  	v16 =	vld [tilespmem:s31+$0x200]  }
0xca: {  	v17 =	vld [tilespmem:s31+$0x280]  }
0xcb: {  	v18 =	vld [tilespmem:s31+$0x300]  }
0xcc: {  	v19 =	vld [tilespmem:s31+$0x380]  }
0xcd: {  	v20 =	vld [tilespmem:s31+$0x2000]  }
0xce: {  	v21 =	vld [tilespmem:s31+$0x2080]  }
0xcf: {  	v22 =	vld [tilespmem:s31+$0x2100]  }
0xd0: {  	v23 =	vld [tilespmem:s31+$0x2180];
	_ =	sdelay $0x2  }
0xd1: {  	v14 =	vmax.f32 v8, v12;
	v24 =	vmax.f32 v13, v15  }
0xd2: {  	v25 =	vmax.f32 v16, v17;
	v26 =	vmax.f32 v18, v19;
	v27 =	vmax.f32 v20, v21  }
0xd3: {  	v28 =	vmax.f32 v22, v23;
	v14 =	vmax.f32 v14, v24;
	v49 =	vmax.f32 v25, v26  }
0xd4: {  	v50 =	vmax.f32 v27, v28;
	v14 =	vmax.f32 v14, v49  }
0xd5: {  	v14 =	vmax.f32 v14, v50  }
0xd6: {  	v8 =	vsub.f32 v8, v14  }
0xd7: {  	v12 =	vsub.f32 v12, v14  }
0xd8: {  	v13 =	vsub.f32 v13, v14;
	v8 =	vmul.f32 $1.442695020e+00, v8  }
0xd9: {  	v15 =	vsub.f32 v15, v14;
	v12 =	vmul.f32 $1.442695020e+00, v12  }
0xda: {  	v51 =	vsub.f32 v16, v14;
	(erf) = vpow2.f32 v8;
	v8 =	vmul.f32 $1.442695020e+00, v13  }
0xdb: {  	v53 =	vsub.f32 v17, v14;
	v52 =	vmul.f32 $1.442695020e+00, v15;
	(erf) = vpow2.f32 v12  }
0xdc: {  	v54 =	vsub.f32 v18, v14;
	(erf) = vpow2.f32 v8;
	v8 =	vmul.f32 $1.442695020e+00, v51  }
0xdd: {  	v56 =	vsub.f32 v19, v14;
	v55 =	vmul.f32 $1.442695020e+00, v53;
	(erf) = vpow2.f32 v52  }
0xde: {  	v57 =	vsub.f32 v20, v14;
	(erf) = vpow2.f32 v8;
	v8 =	vmul.f32 $1.442695020e+00, v54  }
0xdf: {  	v59 =	vsub.f32 v21, v14;
	v58 =	vmul.f32 $1.442695020e+00, v56;
	(erf) = vpow2.f32 v55  }
0xe0: {  	v60 =	vsub.f32 v22, v14;
	(erf) = vpow2.f32 v8;
	v8 =	vmul.f32 $1.442695020e+00, v57  }
0xe1: {  	v61 =	vmul.f32 $1.442695020e+00, v59;
	(erf) = vpow2.f32 v58  }
0xe2: {  	v62 =	vsub.f32 v23, v14;
	(erf) = vpow2.f32 v8;
	v8 =	vmul.f32 $1.442695020e+00, v60;
	_ =	sdelay $0x1  }
0xe3: {  	v28 =	vmul.f32 $1.442695020e+00, v62;
	v63 =	vpop (erf);
	(erf) = vpow2.f32 v61  }
0xe4: {  	v29 =	vpop (erf);
	(erf) = vpow2.f32 v8  }
0xe5: {  	v8 =	vpop (erf);
	(erf) = vpow2.f32 v28  }
0xe6: {  	v30 =	vpop (erf)  }
0xe7: {  	v31 =	vpop (erf)  }
0xe8: {  	v35 =	vld [tilespmem:s31+$0x10];
	v32 =	vpop (erf)  }
0xe9: {  	v38 =	vld [tilespmem:s31+$0x90];
	v33 =	vpop (erf)  }
0xea: {  	v40 =	vld [tilespmem:s31+$0x110];
	v34 =	vpop (erf)  }
0xeb: {  	v42 =	vld [tilespmem:s31+$0x190];
	v37 =	vpop (erf)  }
0xec: {  	v45 =	vld [tilespmem:s31+$0x210];
	v13 =	vadd.f32 v29, v63;
	v8 =	vadd.f32 v30, v8;
	v39 =	vpop (erf)  }
0xed: {  	v36 =	vld [tilespmem:s31+$0x2090];
	v16 =	vadd.f32 v32, v31;
	v44 =	vadd.f32 v34, v33;
	v41 =	vpop (erf)  }
0xee: {  	v59 =	vld [tilespmem:s31+$0x290];
	v8 =	vadd.f32 v8, v13;
	v58 =	vadd.f32 v39, v37;
	v43 =	vpop (erf)  }
0xef: {  	v62 =	vld [tilespmem:s31+$0x390];
	v60 =	vadd.f32 v44, v16;
	v12 =	vadd.f32 v43, v41  }
0xf0: {  	v61 =	vld [tilespmem:s31+$0x310]  }
0xf1: {  	v63 =	vld [tilespmem:s31+$0x2010];
	v8 =	vadd.f32 v60, v8;
	v12 =	vadd.f32 v12, v58  }
0xf2: {  	v46 =	vld [tilespmem:s31+$0x2190]  }
0xf3: {  	v37 =	vadd.f32 v8, v12;
	v8 =	vld [tilespmem:s31+$0x2110]  }
0xf4: {  	v48 =	vmax.f32 v35, v38;
	v49 =	vmax.f32 v40, v42  }
0xf5: {  	v50 =	vmax.f32 v45, v59;
	v55 =	vmov s30;
	v29 =	vmax.f32 v61, v62  }
0xf6: {  	v51 =	vmax.f32 v50, v29;
	v30 =	vmax.f32 v63, v36;
	v12 =	vand.u32 $0x7FFFFF, v37  }
0xf7: {  	v41 =	vshrl.u32 v55, $0x7;
	v23 =	vshra.s32 v37, $0x17;
	v12 =	vor.u32 $0x3F800000, v12  }
0xf8: {  	v47 =	vadd.f32 $-1.000000000e+00, v12;
	v12 =	vmax.f32 v48, v49;
	v31 =	vmax.f32 v8, v46  }
0xf9: {  	v23 =	vadd.s32 $0xFFFFFF81, v23;
	v12 =	vmax.f32 v12, v51;
	v53 =	vmax.f32 v30, v31  }
0xfa: {  	v52 =	vmul.f32 v47, v47;
	v54 =	vmul.f32 $3.272257150e-01, v47;
	v12 =	vmax.f32 v12, v53  }
0xfb: {  	v57 =	vmul.f32 $9.999670980e-01, v47;
	v33 =	vmul.f32 $1.308334320e-01, v47;
	v20 =	vsub.f32 v35, v12  }
0xfc: {  	v26 =	vmul.f32 $1.000928970e-02, v47;
	v27 =	vadd.f32 $-4.992850420e-01, v54;
	v22 =	vsub.f32 v38, v12  }
0xfd: {  	v32 =	vld [tilespmem:s5+$0xFFFFFFC0];
	v56 =	vmul.f32 v52, v52;
	v24 =	vsub.f32 v40, v12;
	v15 =	vsub.f32 v42, v12  }
0xfe: {  	v18 =	vsub.f32 v45, v12;
	v20 =	vmul.f32 $1.442695020e+00, v20;
	v22 =	vmul.f32 $1.442695020e+00, v22  }
0xff: {  	v21 =	vsub.f32 v59, v12;
	v58 =	vmul.f32 $1.442695020e+00, v24;
	v15 =	vmul.f32 $1.442695020e+00, v15  }
0x100: {  	v16 =	vsub.f32 v61, v12;
	v18 =	vmul.f32 $1.442695020e+00, v18;
	(erf) = vpow2.f32 v20  }
0x101: {  	v17 =	vsub.f32 v62, v12;
	v59 =	vmul.f32 $1.442695020e+00, v21;
	(erf) = vpow2.f32 v22  }
0x102: {  	v13 =	vsub.f32 v63, v12;
	v16 =	vmul.f32 $1.442695020e+00, v16;
	(erf) = vpow2.f32 v58  }
0x103: {  	v25 =	vld [tilespmem:s31+$0x120];
	v61 =	vsub.f32 v36, v12;
	v60 =	vmul.f32 $1.442695020e+00, v17;
	(erf) = vpow2.f32 v15  }
0x104: {  	v34 =	vld [tilespmem:s31+$0x2A0];
	v8 =	vsub.f32 v8, v12;
	v13 =	vmul.f32 $1.442695020e+00, v13;
	(erf) = vpow2.f32 v18  }
0x105: {  	v62 =	vld.idx.msk [tilespmem:v32+s18+$0x0], $0xffff;
	v39 =	vsub.f32 v46, v12;
	v38 =	vmul.f32 $1.442695020e+00, v61;
	(erf) = vpow2.f32 v59  }
0x106: {  	v55 =	vld [tilespmem:s31+$0x2020];
	v40 =	vadd.f32 $-2.231658700e-01, v33;
	v8 =	vmul.f32 $1.442695020e+00, v8;
	(erf) = vpow2.f32 v16  }
0x107: {  	v37 =	vld [tilespmem:s31+$0x20A0];
	v44 =	vadd.f32 $-5.243753640e-02, v26;
	v43 =	vmul.f32 $1.442695020e+00, v39;
	(erf) = vpow2.f32 v60  }
0x108: {  	v49 =	vld [tilespmem:s31+$0x220];
	v31 =	vadd.f32 $2.554673130e-07, v57;
	v27 =	vmul.f32 v27, v52;
	(erf) = vpow2.f32 v13  }
0x109: {  	v63 =	vld.idx.msk [tilespmem:v32+s22+$0x0], $0xffff;
	v22 =	vmul.f32 v44, v52;
	v13 =	vshll.u32 v41, $0xA;
	v42 =	vpop (erf);
	(erf) = vpow2.f32 v38  }
0x10a: {  	v35 =	vld [tilespmem:s31+$0x3A0];
	v46 =	vshll.u32 v62, $0xA;
	v45 =	vpop (erf);
	(erf) = vpow2.f32 v8;
	v8 =	vbroadcast v13, $0x0  }
0x10b: {  	v17 =	vld [tilespmem:s31+$0xA0];
	v26 =	vand.u32 $0xFFFFE000, v46;
	v19 =	vadd.f32 v22, v40;
	v18 =	vshll.u32 v62, $0x7  }
0x10c: {  	v20 =	vld [tilespmem:s31+$0x20];
	v18 =	vand.u32 $0x380, v18;
	v47 =	vpop (erf);
	(erf) = vpow2.f32 v43;
	v26 =	vor.u32 v26, v8  }
0x10d: {  	v23 =	vcvt.s32.f32 v23;
	v52 =	vld [tilespmem:s31+$0x320];
	v48 =	vpop (erf);
	v18 =	vor.u32 v18, v26  }
0x10e: {  	v27 =	vadd.f32 v27, v31;
	v44 =	vld [tilespmem:s31+$0x2120];
	v19 =	vmul.f32 v19, v56;
	v50 =	vpop (erf);
	v18 =	vor.u32 v0, v18  }
0x10f: {  	v15 =	vld [tilespmem:s31+$0x1A0];
	v51 =	vpop (erf)  }
0x110: {  	v23 =	vmul.f32 $6.931471820e-01, v23;
	v19 =	vadd.f32 v19, v27;
	v21 =	vadd.f32 v45, v42;
	v45 =	vld [tilespmem:s31+$0x21A0];
	v53 =	vpop (erf)  }
0x111: {  	v61 =	vmax.f32 v49, v34;
	v59 =	vmax.f32 v20, v17;
	v16 =	vmul.f32 $3.819718600e+00, v63;
	v54 =	vpop (erf)  }
0x112: {  	v62 =	vmax.f32 v52, v35;
	v19 =	vadd.f32 v19, v23;
	v13 =	vadd.f32 v48, v47;
	v36 =	vpop (erf)  }
0x113: {  	v63 =	vmax.f32 v55, v37;
	v22 =	vadd.f32 v51, v50;
	v28 =	vadd.f32 v54, v53;
	v43 =	vpop (erf);
	v56 =	vld.idx.msk [tilespmem:v18+s20+$0x0], $0xffff  }
0x114: {  	v60 =	vmax.f32 v25, v15;
	v14 =	vadd.f32 v19, v14;
	v13 =	vadd.f32 v13, v21;
	v38 =	vpop (erf)  }
0x115: {  	v40 =	vmax.f32 v44, v45;
	v27 =	vadd.f32 v43, v36;
	v58 =	vadd.f32 v28, v22;
	v39 =	vpop (erf)  }
0x116: {  	v22 =	vmax.f32 v59, v60;
	v57 =	vadd.f32 v39, v38;
	v38 =	vmax.f32 v61, v62  }
0x117: {  	v39 =	vmax.f32 v63, v40;
	v21 =	vadd.f32 v58, v13;
	v22 =	vmax.f32 v22, v38  }
0x118: {  	v27 =	vadd.f32 v57, v27;
	v13 =	vmax.f32 v22, v39;
	v16 =	vsub.f32 v56, v16  }
0x119: {  	v41 =	vsub.f32 v20, v13;
	v17 =	vsub.f32 v17, v13  }
0x11a: {  	v25 =	vsub.f32 v25, v13;
	v15 =	vsub.f32 v15, v13  }
0x11b: {  	v49 =	vsub.f32 v49, v13;
	v50 =	vsub.f32 v34, v13  }
0x11c: {  	v18 =	vld.idx.msk [tilespmem:v18+s2+$0x0], $0xffff;
	v26 =	vsub.f32 v52, v13;
	v53 =	vsub.f32 v35, v13;
	v47 =	vmul.f32 $1.442695020e+00, v41  }
0x11d: {  	v55 =	vsub.f32 v55, v13;
	v17 =	vmul.f32 $1.442695020e+00, v17;
	v25 =	vmul.f32 $1.442695020e+00, v25  }
0x11e: {  	v57 =	vsub.f32 v37, v13;
	v15 =	vmul.f32 $1.442695020e+00, v15;
	v51 =	vmul.f32 $1.442695020e+00, v49  }
0x11f: {  	v58 =	vld [tilespmem:s1+$0xFFFFFFC0];
	v24 =	vsub.f32 v44, v13;
	v52 =	vmul.f32 $1.442695020e+00, v50;
	v54 =	vmul.f32 $1.442695020e+00, v26  }
0x120: {  	v60 =	vsub.f32 v45, v13;
	v56 =	vmul.f32 $1.442695020e+00, v53;
	(erf) = vpow2.f32 v47  }
0x121: {  	v14 =	vsub.f32 v14, v18;
	v59 =	vmul.f32 $1.442695020e+00, v55;
	(erf) = vpow2.f32 v17  }
0x122: {  	v21 =	vadd.f32 v21, v27;
	v24 =	vmul.f32 $1.442695020e+00, v24;
	(erf) = vpow2.f32 v25  }
0x123: {  	v40 =	vand.u32 $0x7FFFFFFF, v16;
	v43 =	vmul.f32 $1.442695020e+00, v60;
	(erf) = vpow2.f32 v15  }
0x124: {  	v33 =	vld [tilespmem:s31+$0x1B0];
	v27 =	vcvt.s32.f32 v58;
	v42 =	vmin.f32 v40, $1.000000000e+00;
	(erf) = vpow2.f32 v51  }
0x125: {  	v16 =	vld [tilespmem:s5+$0xFFFFFFD0];
	v48 =	vand.u32 $0x7FFFFF, v21;
	v46 =	vmul.f32 $5.000000000e-01, v42;
	(erf) = vpow2.f32 v52  }
0x126: {  	v31 =	vld [tilespmem:s31+$0x130];
	v61 =	vor.u32 $0x3F800000, v48;
	v14 =	vmul.f32 v27, v14;
	(erf) = vpow2.f32 v54  }
0x127: {  	v36 =	vld [tilespmem:s31+$0x230];
	v17 =	vmul.f32 $1.442695020e+00, v57;
	v62 =	vadd.f32 $-1.000000000e+00, v61;
	(erf) = vpow2.f32 v56  }
0x128: {  	v28 =	vld [tilespmem:s31+$0x20B0];
	v44 =	vmul.f32 v46, v42;
	(erf) = vpow2.f32 v59  }
0x129: {  	v38 =	vld [tilespmem:s31+$0x2B0];
	v20 =	vsub.f32 v40, v42;
	v46 =	vmul.f32 $3.272257150e-01, v62;
	v63 =	vpop (erf);
	(erf) = vpow2.f32 v17  }
0x12a: {  	v37 =	vld [tilespmem:s31+$0x2130];
	v14 =	vadd.f32 v14, v11;
	v48 =	vmul.f32 $1.000928970e-02, v62;
	v45 =	vpop (erf);
	(erf) = vpow2.f32 v24  }
0x12b: {  	v40 =	vld [tilespmem:s31+$0x330];
	v50 =	vmul.f32 $9.999670980e-01, v62;
	v19 =	vadd.f32 v44, v20;
	v47 =	vpop (erf);
	(erf) = vpow2.f32 v43  }
0x12c: {  	v15 =	vld [tilespmem:s5+$0xFFFFFFE0];
	v25 =	vmul.f32 $1.308334320e-01, v62;
	v52 =	vmul.f32 v62, v62;
	v18 =	vadd.f32 $-5.243753640e-02, v48;
	v49 =	vpop (erf)  }
0x12d: {  	v44 =	vmax.f32 v31, v33;
	v22 =	vadd.f32 $-4.992850420e-01, v46;
	v29 =	vld.idx.msk [tilespmem:v16+s18+$0x0], $0xffff;
	v19 =	vmul.f32 v27, v19;
	v51 =	vpop (erf)  }
0x12e: {  	v20 =	vadd.f32 $2.554673130e-07, v50;
	v25 =	vadd.f32 $-2.231658700e-01, v25;
	v16 =	vld.idx.msk [tilespmem:v16+s22+$0x0], $0xffff;
	v18 =	vmul.f32 v18, v52;
	v53 =	vpop (erf)  }
0x12f: {  	v22 =	vmul.f32 v22, v52;
	v11 =	vadd.f32 v19, v10;
	v10 =	vshra.s32 v21, $0x17;
	v21 =	vld [tilespmem:s31+$0x3B0];
	v54 =	vpop (erf)  }
0x130: {  	v34 =	vmul.f32 v52, v52;
	v17 =	vld [tilespmem:s31+$0xB0];
	v10 =	vadd.s32 $0xFFFFFF81, v10;
	v18 =	vadd.f32 v18, v25;
	v55 =	vpop (erf)  }
0x131: {  	v20 =	vadd.f32 v22, v20;
	v25 =	vld [tilespmem:s31+$0x2030];
	v30 =	vcvt.s32.f32 v10;
	v23 =	vadd.f32 v45, v63;
	v56 =	vpop (erf)  }
0x132: {  	v24 =	vld [tilespmem:s31+$0x30];
	v18 =	vmul.f32 v18, v34;
	v59 =	vshll.u32 v29, $0xA;
	v26 =	vadd.f32 v49, v47;
	v57 =	vpop (erf)  }
0x133: {  	v22 =	vld [tilespmem:s31+$0x21B0];
	v29 =	vshll.u32 v29, $0x7;
	v32 =	vadd.f32 v53, v51;
	v58 =	vadd.f32 v55, v54;
	v41 =	vpop (erf)  }
0x134: {  	v45 =	vmax.f32 v36, v38;
	v23 =	vadd.f32 v26, v23;
	v19 =	vadd.f32 v57, v56;
	v10 =	vpop (erf)  }
0x135: {  	v16 =	vmul.f32 $3.819718600e+00, v16;
	v60 =	vadd.f32 v58, v32;
	v10 =	vadd.f32 v10, v41  }
0x136: {  	v61 =	vand.u32 $0xFFFFE000, v59;
	v46 =	vmax.f32 v40, v21;
	v47 =	vmax.f32 v25, v28  }
0x137: {  	v50 =	vld.idx.msk [tilespmem:v15+s18+$0x0], $0xffff;
	v63 =	vmax.f32 v24, v17;
	v62 =	vadd.f32 v60, v23;
	v10 =	vadd.f32 v10, v19  }
0x138: {  	v15 =	vld.idx.msk [tilespmem:v15+s22+$0x0], $0xffff;
	v48 =	vmax.f32 v37, v22;
	v49 =	vmax.f32 v45, v46;
	v23 =	vmax.f32 v63, v44  }
0x139: {  	v23 =	vmax.f32 v23, v49;
	v19 =	vadd.f32 v62, v10;
	v10 =	vmax.f32 v47, v48  }
0x13a: {  	v29 =	vand.u32 $0x380, v29;
	v51 =	vadd.s32 v8, v61;
	v10 =	vmax.f32 v23, v10  }
0x13b: {  	v52 =	vor.u32 v29, v51;
	v24 =	vsub.f32 v24, v10;
	v17 =	vsub.f32 v17, v10  }
0x13c: {  	v42 =	vshll.u32 v50, $0x7;
	v54 =	vsub.f32 v31, v10;
	v56 =	vsub.f32 v33, v10  }
0x13d: {  	v15 =	vmul.f32 $3.819718600e+00, v15;
	v58 =	vsub.f32 v36, v10;
	v60 =	vsub.f32 v38, v10  }
0x13e: {  	v55 =	vshll.u32 v50, $0xA;
	v62 =	vsub.f32 v40, v10;
	v21 =	vsub.f32 v21, v10  }
0x13f: {  	v23 =	vor.u32 v1, v52;
	v25 =	vsub.f32 v25, v10;
	v33 =	vsub.f32 v28, v10  }
0x140: {  	v53 =	vand.u32 $0x7FFFFF, v19;
	v36 =	vsub.f32 v37, v10;
	v38 =	vsub.f32 v22, v10  }
0x141: {  	v40 =	vand.u32 $0xFFFFE000, v55;
	v24 =	vmul.f32 $1.442695020e+00, v24;
	v17 =	vmul.f32 $1.442695020e+00, v17  }
0x142: {  	v19 =	vshra.s32 v19, $0x17;
	v57 =	vmul.f32 $1.442695020e+00, v54;
	v59 =	vmul.f32 $1.442695020e+00, v56  }
0x143: {  	v26 =	vor.u32 $0x3F800000, v53;
	v61 =	vmul.f32 $1.442695020e+00, v58;
	v63 =	vmul.f32 $1.442695020e+00, v60  }
0x144: {  	v19 =	vadd.s32 $0xFFFFFF81, v19;
	v29 =	vmul.f32 $1.442695020e+00, v62;
	v32 =	vmul.f32 $1.442695020e+00, v21  }
0x145: {  	v22 =	vld [tilespmem:s1+$0xFFFFFFD0];
	v26 =	vadd.f32 $-1.000000000e+00, v26;
	v35 =	vmul.f32 $1.442695020e+00, v25;
	v37 =	vmul.f32 $1.442695020e+00, v33  }
0x146: {  	v41 =	vmul.f32 $1.442695020e+00, v36;
	v55 =	vmul.f32 $1.442695020e+00, v38;
	v56 =	vadd.s32 v8, v40  }
0x147: {  	v25 =	vand.u32 $0x380, v42;
	v19 =	vcvt.s32.f32 v19;
	(erf) = vpow2.f32 v24  }
0x148: {  	v21 =	vor.u32 v25, v56;
	v39 =	vld.idx.msk [tilespmem:v23+s20+$0x0], $0xffff;
	v44 =	vmul.f32 $1.308334320e-01, v26;
	v46 =	vmul.f32 $9.999670980e-01, v26  }
0x149: {  	v21 =	vor.u32 v2, v21;
	v19 =	vmul.f32 $6.931471820e-01, v19;
	(erf) = vpow2.f32 v17  }
0x14a: {  	v9 =	vadd.f32 v27, v9;
	v22 =	vcvt.s32.f32 v22;
	(erf) = vpow2.f32 v57  }
0x14b: {  	v18 =	vadd.f32 v18, v20;
	(erf) = vpow2.f32 v59;
	v59 =	vmul.f32 $1.000928970e-02, v26  }
0x14c: {  	v31 =	vadd.f32 $-2.231658700e-01, v44;
	(erf) = vpow2.f32 v61;
	v61 =	vmul.f32 $6.931471820e-01, v30  }
0x14d: {  	v23 =	vld.idx.msk [tilespmem:v23+s2+$0x0], $0xffff;
	(erf) = vpow2.f32 v63;
	v16 =	vsub.f32 v39, v16;
	v63 =	vmul.f32 v26, v26  }
0x14e: {  	v17 =	vadd.f32 $-5.243753640e-02, v59;
	v26 =	vmul.f32 $3.272257150e-01, v26;
	v51 =	vld.idx.msk [tilespmem:v21+s2+$0x0], $0xffff;
	(erf) = vpow2.f32 v29  }
0x14f: {  	v27 =	vadd.f32 $2.554673130e-07, v46;
	v21 =	vld.idx.msk [tilespmem:v21+s20+$0x0], $0xffff;
	v18 =	vadd.f32 v18, v61;
	(erf) = vpow2.f32 v32  }
0x150: {  	v16 =	vand.u32 $0x7FFFFFFF, v16;
	v17 =	vmul.f32 v17, v63;
	v26 =	vadd.f32 $-4.992850420e-01, v26  }
0x151: {  	v56 =	vmul.f32 v63, v63;
	(erf) = vpow2.f32 v35;
	v50 =	vmin.f32 v16, $1.000000000e+00  }
0x152: {  	v48 =	vld [tilespmem:s1+$0xFFFFFFE0];
	v12 =	vadd.f32 v18, v12;
	v43 =	vpop (erf);
	(erf) = vpow2.f32 v37;
	v53 =	vmul.f32 $5.000000000e-01, v50  }
0x153: {  	v33 =	vld [tilespmem:s31+$0x40];
	v17 =	vadd.f32 v17, v31;
	v26 =	vmul.f32 v26, v63;
	v57 =	vpop (erf);
	(erf) = vpow2.f32 v41  }
0x154: {  	v25 =	vld [tilespmem:s31+$0x140];
	v15 =	vsub.f32 v21, v15;
	v12 =	vsub.f32 v12, v23;
	v58 =	vpop (erf);
	(erf) = vpow2.f32 v55  }
0x155: {  	v29 =	vld [tilespmem:s5+$0xFFFFFFF0];
	v16 =	vsub.f32 v16, v50;
	v26 =	vadd.f32 v26, v27;
	v17 =	vmul.f32 v17, v56;
	v60 =	vpop (erf)  }
0x156: {  	v63 =	vld [tilespmem:s31+$0x240];
	v28 =	vadd.f32 v57, v43;
	v15 =	vand.u32 $0x7FFFFFFF, v15;
	v12 =	vmul.f32 v22, v12;
	v62 =	vpop (erf)  }
0x157: {  	v21 =	vld [tilespmem:s31+$0x2C0];
	v24 =	vadd.f32 v60, v58;
	v17 =	vadd.f32 v17, v26;
	v44 =	vmin.f32 v15, $1.000000000e+00;
	v45 =	vpop (erf)  }
0x158: {  	v23 =	vld [tilespmem:s31+$0x340];
	v46 =	vmul.f32 $5.000000000e-01, v44;
	v14 =	vadd.f32 v12, v14;
	v27 =	vsub.f32 v15, v44;
	v47 =	vpop (erf)  }
0x159: {  	v26 =	vld [tilespmem:s31+$0x3C0];
	v20 =	vadd.f32 v45, v62;
	v17 =	vadd.f32 v17, v19;
	v49 =	vpop (erf)  }
0x15a: {  	v24 =	vadd.f32 v24, v28;
	v28 =	vld [tilespmem:s31+$0xC0];
	v62 =	vmul.f32 v53, v50;
	v31 =	vmul.f32 v46, v44;
	v52 =	vpop (erf)  }
0x15b: {  	v50 =	vld [tilespmem:s31+$0x21C0];
	v58 =	vadd.f32 v49, v47;
	v17 =	vadd.f32 v17, v13;
	v54 =	vpop (erf)  }
0x15c: {  	v16 =	vadd.f32 v62, v16;
	v13 =	vcvt.s32.f32 v48;
	v48 =	vld [tilespmem:s31+$0x2140];
	v27 =	vadd.f32 v31, v27;
	v55 =	vpop (erf)  }
0x15d: {  	v20 =	vadd.f32 v58, v20;
	v17 =	vsub.f32 v17, v51;
	v51 =	vld.idx.msk [tilespmem:v29+s18+$0x0], $0xffff;
	v57 =	vpop (erf)  }
0x15e: {  	v42 =	vmax.f32 v23, v26;
	v59 =	vadd.f32 v54, v52;
	v29 =	vld.idx.msk [tilespmem:v29+s22+$0x0], $0xffff;
	v60 =	vadd.f32 v57, v55  }
0x15f: {  	v16 =	vmul.f32 v22, v16;
	v22 =	vadd.f32 v22, v9;
	v20 =	vadd.f32 v20, v24;
	v24 =	vld [tilespmem:s31+$0x1C0]  }
0x160: {  	v45 =	vld [tilespmem:s31+$0x2040];
	v27 =	vmul.f32 v13, v27;
	v57 =	vmax.f32 v63, v21;
	v61 =	vadd.f32 v60, v59  }
0x161: {  	v47 =	vld [tilespmem:s31+$0x20C0];
	v55 =	vmax.f32 v33, v28;
	v58 =	vmax.f32 v48, v50;
	v41 =	vmax.f32 v57, v42  }
0x162: {  	v59 =	vshll.u32 v51, $0xA;
	v12 =	vshll.u32 v51, $0x7;
	v20 =	vadd.f32 v20, v61  }
0x163: {  	v9 =	vmul.f32 $3.819718600e+00, v29;
	v42 =	vand.u32 $0xFFFFE000, v59;
	v12 =	vand.u32 $0x380, v12  }
0x164: {  	v56 =	vmax.f32 v25, v24;
	v42 =	vadd.s32 v8, v42;
	v43 =	vand.u32 $0x7FFFFF, v20  }
0x165: {  	v20 =	vshra.s32 v20, $0x17;
	v15 =	vmax.f32 v55, v56;
	v61 =	vor.u32 v12, v42  }
0x166: {  	v19 =	vor.u32 $0x3F800000, v43;
	v20 =	vadd.s32 $0xFFFFFF81, v20;
	v43 =	vmax.f32 v45, v47  }
0x167: {  	v15 =	vmax.f32 v15, v41;
	v19 =	vadd.f32 $-1.000000000e+00, v19;
	v40 =	vmax.f32 v43, v58  }
0x168: {  	v20 =	vcvt.s32.f32 v20;
	v12 =	vmax.f32 v15, v40;
	v15 =	vor.u32 v3, v61  }
0x169: {  	v49 =	vmul.f32 v19, v19;
	v52 =	vmul.f32 $9.999670980e-01, v19;
	v33 =	vsub.f32 v33, v12  }
0x16a: {  	v53 =	vmul.f32 $3.272257150e-01, v19;
	v28 =	vsub.f32 v28, v12;
	v25 =	vsub.f32 v25, v12  }
0x16b: {  	v60 =	vmul.f32 $1.000928970e-02, v19;
	v24 =	vsub.f32 v24, v12;
	v18 =	vsub.f32 v63, v12  }
0x16c: {  	v19 =	vmul.f32 $1.308334320e-01, v19;
	v21 =	vsub.f32 v21, v12;
	v23 =	vsub.f32 v23, v12  }
0x16d: {  	v40 =	vsub.f32 v26, v12;
	v20 =	vmul.f32 $6.931471820e-01, v20;
	v54 =	vmul.f32 v49, v49  }
0x16e: {  	v34 =	vld [tilespmem:s31+$0x2D0];
	v42 =	vsub.f32 v45, v12;
	v33 =	vmul.f32 $1.442695020e+00, v33;
	v28 =	vmul.f32 $1.442695020e+00, v28  }
0x16f: {  	v30 =	vld [tilespmem:s31+$0x1D0];
	v44 =	vsub.f32 v47, v12;
	v25 =	vmul.f32 $1.442695020e+00, v25;
	v24 =	vmul.f32 $1.442695020e+00, v24  }
0x170: {  	v32 =	vld [tilespmem:s31+$0x250];
	v46 =	vsub.f32 v48, v12;
	v18 =	vmul.f32 $1.442695020e+00, v18;
	v21 =	vmul.f32 $1.442695020e+00, v21  }
0x171: {  	v29 =	vld [tilespmem:s31+$0x21D0];
	v62 =	vadd.f32 $-5.243753640e-02, v60;
	v41 =	vmul.f32 $1.442695020e+00, v23;
	v43 =	vmul.f32 $1.442695020e+00, v40  }
0x172: {  	v26 =	vld [tilespmem:s31+$0xD0];
	v48 =	vsub.f32 v50, v12;
	v45 =	vmul.f32 $1.442695020e+00, v42;
	(erf) = vpow2.f32 v33  }
0x173: {  	v19 =	vadd.f32 $-2.231658700e-01, v19;
	v23 =	vld [tilespmem:s31+$0x350];
	v35 =	vmul.f32 v62, v49;
	(erf) = vpow2.f32 v28  }
0x174: {  	v38 =	vadd.f32 $-4.992850420e-01, v53;
	v47 =	vmul.f32 $1.442695020e+00, v44;
	v63 =	vld.idx.msk [tilespmem:v15+s20+$0x0], $0xffff;
	(erf) = vpow2.f32 v25  }
0x175: {  	v51 =	vmul.f32 $1.442695020e+00, v48;
	v28 =	vld [tilespmem:s31+$0x150];
	v19 =	vadd.f32 v35, v19;
	(erf) = vpow2.f32 v24  }
0x176: {  	v37 =	vadd.f32 $2.554673130e-07, v52;
	v38 =	vmul.f32 v38, v49;
	v25 =	vld [tilespmem:s31+$0x50];
	(erf) = vpow2.f32 v18  }
0x177: {  	v24 =	vld [tilespmem:s31+$0x3D0];
	v19 =	vmul.f32 v19, v54;
	(erf) = vpow2.f32 v21  }
0x178: {  	v52 =	vadd.f32 v38, v37;
	v18 =	vld [tilespmem:s31+$0x2050];
	v54 =	vmul.f32 v13, v17;
	(erf) = vpow2.f32 v41  }
0x179: {  	v11 =	vadd.f32 v16, v11;
	v49 =	vmul.f32 $1.442695020e+00, v46;
	v21 =	vld [tilespmem:s31+$0x20D0];
	(erf) = vpow2.f32 v43  }
0x17a: {  	v46 =	vmax.f32 v32, v34;
	v15 =	vld.idx.msk [tilespmem:v15+s2+$0x0], $0xffff;
	v19 =	vadd.f32 v19, v52;
	v38 =	vadd.f32 v54, v14  }
0x17b: {  	v37 =	vld [tilespmem:s31+$0x2150];
	v14 =	vadd.f32 v27, v11;
	v62 =	vmax.f32 v28, v30;
	v61 =	vmax.f32 v25, v26;
	v50 =	vpop (erf)  }
0x17c: {  	(erf) = vpow2.f32 v45;
	v11 =	vadd.f32 v19, v20;
	v20 =	vsub.f32 v63, v9;
	v63 =	vld [tilespmem:s1+$0xFFFFFFF0];
	v53 =	vpop (erf)  }
0x17d: {  	v13 =	vadd.f32 v13, v22;
	v33 =	vmax.f32 v61, v62;
	(erf) = vpow2.f32 v47;
	v55 =	vpop (erf)  }
0x17e: {  	v47 =	vmax.f32 v23, v24;
	(erf) = vpow2.f32 v49;
	v48 =	vmax.f32 v18, v21;
	v56 =	vpop (erf)  }
0x17f: {  	v40 =	vmax.f32 v46, v47;
	v10 =	vadd.f32 v11, v10;
	(erf) = vpow2.f32 v51;
	v57 =	vpop (erf)  }
0x180: {  	v59 =	vadd.f32 v53, v50;
	v50 =	vmax.f32 v37, v29;
	v17 =	vadd.f32 v56, v55;
	v58 =	vpop (erf)  }
0x181: {  	v33 =	vmax.f32 v33, v40;
	v10 =	vsub.f32 v10, v15;
	v16 =	vcvt.s32.f32 v63;
	v9 =	vpop (erf)  }
0x182: {  	v52 =	vmax.f32 v48, v50;
	v19 =	vadd.f32 v58, v57;
	v17 =	vadd.f32 v17, v59;
	v60 =	vpop (erf)  }
0x183: {  	v13 =	vadd.f32 v16, v13;
	v31 =	vadd.f32 v60, v9;
	v9 =	vmax.f32 v33, v52  }
0x184: {  	v25 =	vsub.f32 v25, v9;
	v26 =	vsub.f32 v26, v9  }
0x185: {  	v56 =	vld [tilespmem:s5+$0x0];
	v55 =	vsub.f32 v28, v9;
	v30 =	vsub.f32 v30, v9  }
0x186: {  	v20 =	vand.u32 $0x7FFFFFFF, v20;
	v59 =	vsub.f32 v32, v9;
	v61 =	vsub.f32 v34, v9  }
0x187: {  	v10 =	vmul.f32 v16, v10;
	v23 =	vsub.f32 v23, v9;
	v24 =	vsub.f32 v24, v9  }
0x188: {  	v45 =	vpop (erf);
	v18 =	vsub.f32 v18, v9;
	v25 =	vmul.f32 $1.442695020e+00, v25;
	v26 =	vmul.f32 $1.442695020e+00, v26  }
0x189: {  	v49 =	vpop (erf);
	v21 =	vsub.f32 v21, v9;
	v58 =	vmul.f32 $1.442695020e+00, v55;
	v60 =	vmul.f32 $1.442695020e+00, v30  }
0x18a: {  	v51 =	vpop (erf);
	v39 =	vadd.f32 v49, v45;
	v62 =	vmul.f32 $1.442695020e+00, v59;
	v63 =	vmul.f32 $1.442695020e+00, v61  }
0x18b: {  	v19 =	vadd.f32 v31, v19;
	v53 =	vpop (erf);
	v23 =	vmul.f32 $1.442695020e+00, v23;
	v24 =	vmul.f32 $1.442695020e+00, v24  }
0x18c: {  	v18 =	vmul.f32 $1.442695020e+00, v18;
	v54 =	vadd.f32 v53, v51;
	(erf) = vpow2.f32 v25  }
0x18d: {  	v33 =	vsub.f32 v29, v9;
	v21 =	vmul.f32 $1.442695020e+00, v21;
	v32 =	vld.idx.msk [tilespmem:v56+s18+$0x0], $0xffff;
	(erf) = vpow2.f32 v26  }
0x18e: {  	v17 =	vadd.f32 v19, v17;
	v57 =	vadd.f32 v54, v39;
	(erf) = vpow2.f32 v58  }
0x18f: {  	v30 =	vsub.f32 v37, v9;
	v11 =	vmul.f32 $1.442695020e+00, v33;
	(erf) = vpow2.f32 v60  }
0x190: {  	v37 =	vmin.f32 v20, $1.000000000e+00;
	v17 =	vadd.f32 v17, v57;
	(erf) = vpow2.f32 v62  }
0x191: {  	v15 =	vsub.f32 v20, v37;
	v34 =	vmul.f32 $1.442695020e+00, v30;
	(erf) = vpow2.f32 v63  }
0x192: {  	v41 =	vshll.u32 v32, $0xA;
	v40 =	vand.u32 $0x7FFFFF, v17;
	(erf) = vpow2.f32 v23  }
0x193: {  	v25 =	vshll.u32 v32, $0x7;
	v23 =	vor.u32 $0x3F800000, v40;
	(erf) = vpow2.f32 v24  }
0x194: {  	v25 =	vand.u32 $0x380, v25;
	v23 =	vadd.f32 $-1.000000000e+00, v23;
	(erf) = vpow2.f32 v18  }
0x195: {  	v17 =	vshra.s32 v17, $0x17;
	v24 =	vand.u32 $0xFFFFE000, v41;
	v35 =	vpop (erf);
	(erf) = vpow2.f32 v21  }
0x196: {  	v24 =	vadd.s32 v8, v24;
	v47 =	vmul.f32 $3.272257150e-01, v23;
	v36 =	vpop (erf);
	(erf) = vpow2.f32 v34  }
0x197: {  	v53 =	vld.idx.msk [tilespmem:v56+s22+$0x0], $0xffff;
	v45 =	vor.u32 v25, v24;
	v55 =	vmul.f32 $1.000928970e-02, v23;
	v39 =	vpop (erf);
	(erf) = vpow2.f32 v11  }
0x198: {  	v26 =	vld [tilespmem:s5+$0x10];
	v59 =	vmul.f32 v23, v23;
	v20 =	vor.u32 v4, v45;
	v11 =	vmul.f32 $5.000000000e-01, v37;
	v42 =	vpop (erf)  }
0x199: {  	v33 =	vld [tilespmem:s31+$0x2060];
	v17 =	vadd.s32 $0xFFFFFF81, v17;
	v60 =	vmul.f32 $1.308334320e-01, v23;
	v23 =	vmul.f32 $9.999670980e-01, v23;
	v43 =	vpop (erf)  }
0x19a: {  	v30 =	vld [tilespmem:s31+$0x60];
	v19 =	vadd.f32 v36, v35;
	v28 =	vadd.f32 $-5.243753640e-02, v55;
	v11 =	vmul.f32 v11, v37;
	v44 =	vpop (erf)  }
0x19b: {  	v63 =	vld [tilespmem:s31+$0x1E0];
	v17 =	vcvt.s32.f32 v17;
	v61 =	vadd.f32 $-2.231658700e-01, v60;
	v23 =	vadd.f32 $2.554673130e-07, v23;
	v46 =	vpop (erf)  }
0x19c: {  	v18 =	vadd.f32 v42, v39;
	v62 =	vmul.f32 v28, v59;
	v28 =	vld [tilespmem:s31+$0x160];
	v49 =	vadd.f32 v11, v15;
	v48 =	vpop (erf)  }
0x19d: {  	v21 =	vmul.f32 $3.819718600e+00, v53;
	v11 =	vadd.f32 v10, v38;
	v10 =	vadd.f32 $-4.992850420e-01, v47;
	v56 =	vld.idx.msk [tilespmem:v20+s20+$0x0], $0xffff;
	v50 =	vpop (erf)  }
0x19e: {  	v17 =	vmul.f32 $6.931471820e-01, v17;
	v35 =	vld [tilespmem:s31+$0x20E0];
	v27 =	vadd.f32 v44, v43;
	v24 =	vadd.f32 v48, v46;
	v51 =	vpop (erf)  }
0x19f: {  	v18 =	vadd.f32 v18, v19;
	v19 =	vld [tilespmem:s31+$0xE0];
	v25 =	vadd.f32 v62, v61;
	v10 =	vmul.f32 v10, v59;
	v52 =	vpop (erf)  }
0x1a0: {  	v22 =	vmul.f32 v16, v49;
	v48 =	vld.idx.msk [tilespmem:v26+s18+$0x0], $0xffff;
	v15 =	vadd.f32 v51, v50;
	v58 =	vadd.f32 v24, v27;
	v54 =	vpop (erf)  }
0x1a1: {  	v29 =	vld [tilespmem:s31+$0x2E0];
	v24 =	vmul.f32 v59, v59;
	v10 =	vadd.f32 v10, v23;
	v57 =	vadd.f32 v54, v52  }
0x1a2: {  	v32 =	vld [tilespmem:s31+$0x3E0];
	v14 =	vadd.f32 v22, v14;
	v51 =	vmax.f32 v28, v63;
	v21 =	vsub.f32 v56, v21  }
0x1a3: {  	v27 =	vld [tilespmem:s31+$0x260];
	v18 =	vadd.f32 v58, v18;
	v24 =	vmul.f32 v25, v24;
	v15 =	vadd.f32 v57, v15  }
0x1a4: {  	v50 =	vmax.f32 v30, v19;
	v25 =	vld [tilespmem:s31+$0x360];
	v54 =	vmax.f32 v33, v35;
	v21 =	vand.u32 $0x7FFFFFFF, v21  }
0x1a5: {  	v59 =	vshll.u32 v48, $0xA;
	v10 =	vadd.f32 v24, v10;
	v15 =	vadd.f32 v18, v15  }
0x1a6: {  	v34 =	vld [tilespmem:s31+$0x21E0];
	v61 =	vshll.u32 v48, $0x7;
	v43 =	vmin.f32 v21, $1.000000000e+00;
	v60 =	vand.u32 $0xFFFFE000, v59  }
0x1a7: {  	v44 =	vmul.f32 $5.000000000e-01, v43;
	v10 =	vadd.f32 v10, v17;
	v17 =	vld [tilespmem:s31+$0x2160];
	v42 =	vand.u32 $0x7FFFFF, v15  }
0x1a8: {  	v21 =	vsub.f32 v21, v43;
	v52 =	vmax.f32 v27, v29;
	v23 =	vor.u32 $0x3F800000, v42  }
0x1a9: {  	v16 =	vadd.s32 v8, v60;
	v53 =	vmax.f32 v25, v32;
	v23 =	vadd.f32 $-1.000000000e+00, v23  }
0x1aa: {  	v24 =	vmul.f32 v44, v43;
	v12 =	vadd.f32 v10, v12;
	v56 =	vmax.f32 v52, v53  }
0x1ab: {  	v15 =	vshra.s32 v15, $0x17;
	v45 =	vmul.f32 v23, v23;
	v10 =	vmul.f32 $1.000928970e-02, v23  }
0x1ac: {  	v55 =	vmax.f32 v17, v34;
	v46 =	vmul.f32 $3.272257150e-01, v23;
	v37 =	vmul.f32 $9.999670980e-01, v23  }
0x1ad: {  	v49 =	vmul.f32 $1.308334320e-01, v23;
	v23 =	vmax.f32 v50, v51;
	v10 =	vadd.f32 $-5.243753640e-02, v10  }
0x1ae: {  	v58 =	vmax.f32 v54, v55;
	v23 =	vmax.f32 v23, v56;
	v47 =	vadd.f32 $-4.992850420e-01, v46  }
0x1af: {  	v31 =	vld [tilespmem:s31+$0xF0];
	v57 =	vadd.f32 $-2.231658700e-01, v49;
	v22 =	vmul.f32 v10, v45;
	v10 =	vmax.f32 v23, v58  }
0x1b0: {  	v26 =	vld.idx.msk [tilespmem:v26+s22+$0x0], $0xffff;
	v15 =	vadd.s32 $0xFFFFFF81, v15;
	v30 =	vsub.f32 v30, v10;
	v19 =	vsub.f32 v19, v10  }
0x1b1: {  	v20 =	vld.idx.msk [tilespmem:v20+s2+$0x0], $0xffff;
	v15 =	vcvt.s32.f32 v15;
	v28 =	vsub.f32 v28, v10;
	v18 =	vsub.f32 v63, v10  }
0x1b2: {  	v36 =	vmul.f32 v45, v45;
	v27 =	vsub.f32 v27, v10;
	v39 =	vsub.f32 v29, v10;
	v29 =	vld [tilespmem:s31+$0x1F0]  }
0x1b3: {  	v38 =	vmul.f32 v47, v45;
	v25 =	vsub.f32 v25, v10;
	v43 =	vsub.f32 v32, v10;
	v32 =	vld [tilespmem:s31+$0x2F0]  }
0x1b4: {  	v23 =	vand.u32 $0x380, v61;
	v45 =	vsub.f32 v33, v10;
	v33 =	vld [tilespmem:s31+$0x370];
	v47 =	vsub.f32 v35, v10  }
0x1b5: {  	v35 =	vld [tilespmem:s31+$0x3F0];
	v22 =	vadd.f32 v22, v57;
	v57 =	vmul.f32 $3.819718600e+00, v26;
	v62 =	vmul.f32 $1.442695020e+00, v30  }
0x1b6: {  	v50 =	vsub.f32 v34, v10;
	v34 =	vld [tilespmem:s31+$0x20F0];
	v19 =	vmul.f32 $1.442695020e+00, v19;
	v63 =	vmul.f32 $1.442695020e+00, v28  }
0x1b7: {  	v16 =	vor.u32 v23, v16;
	v23 =	vld [tilespmem:s31+$0x2170];
	v18 =	vmul.f32 $1.442695020e+00, v18;
	v41 =	vmul.f32 $1.442695020e+00, v27  }
0x1b8: {  	v17 =	vsub.f32 v17, v10;
	v30 =	vld [tilespmem:s31+$0x70];
	v42 =	vmul.f32 $1.442695020e+00, v39;
	v44 =	vmul.f32 $1.442695020e+00, v25  }
0x1b9: {  	v16 =	vor.u32 v5, v16;
	v28 =	vld [tilespmem:s31+$0x170];
	v46 =	vmul.f32 $1.442695020e+00, v43;
	v48 =	vmul.f32 $1.442695020e+00, v45  }
0x1ba: {  	v21 =	vadd.f32 v24, v21;
	v27 =	vld [tilespmem:s31+$0x270];
	v49 =	vmul.f32 $1.442695020e+00, v47;
	(erf) = vpow2.f32 v62  }
0x1bb: {  	v37 =	vadd.f32 $2.554673130e-07, v37;
	v25 =	vld [tilespmem:s31+$0x2070];
	v17 =	vmul.f32 $1.442695020e+00, v17;
	(erf) = vpow2.f32 v19  }
0x1bc: {  	v20 =	vsub.f32 v12, v20;
	v52 =	vmul.f32 $1.442695020e+00, v50;
	v19 =	vld [tilespmem:s31+$0x21F0];
	(erf) = vpow2.f32 v63  }
0x1bd: {  	v54 =	vadd.f32 v38, v37;
	v22 =	vmul.f32 v22, v36;
	(erf) = vpow2.f32 v18  }
0x1be: {  	v55 =	vld.idx.msk [tilespmem:v16+s20+$0x0], $0xffff;
	v63 =	vmax.f32 v33, v35;
	v59 =	vmax.f32 v30, v31;
	(erf) = vpow2.f32 v41  }
0x1bf: {  	v60 =	vmax.f32 v28, v29;
	v62 =	vmax.f32 v27, v32;
	(erf) = vpow2.f32 v42  }
0x1c0: {  	v37 =	vmax.f32 v59, v60;
	v41 =	vmax.f32 v62, v63;
	(erf) = vpow2.f32 v44  }
0x1c1: {  	v47 =	vmax.f32 v23, v19;
	(erf) = vpow2.f32 v46;
	v46 =	vmax.f32 v25, v34  }
0x1c2: {  	v37 =	vmax.f32 v37, v41;
	(erf) = vpow2.f32 v48;
	v48 =	vmax.f32 v46, v47  }
0x1c3: {  	v18 =	vsub.f32 v55, v57;
	v51 =	vpop (erf);
	(erf) = vpow2.f32 v49;
	v12 =	vmax.f32 v37, v48  }
0x1c4: {  	v53 =	vpop (erf);
	(erf) = vpow2.f32 v17;
	v17 =	vadd.f32 v22, v54;
	v30 =	vsub.f32 v30, v12  }
0x1c5: {  	v15 =	vmul.f32 $6.931471820e-01, v15;
	v31 =	vsub.f32 v31, v12;
	v28 =	vsub.f32 v28, v12  }
0x1c6: {  	v29 =	vsub.f32 v29, v12;
	v27 =	vsub.f32 v27, v12;
	v56 =	vpop (erf);
	(erf) = vpow2.f32 v52  }
0x1c7: {  	v18 =	vand.u32 $0x7FFFFFFF, v18;
	v25 =	vsub.f32 v25, v12;
	v62 =	vsub.f32 v34, v12;
	v58 =	vpop (erf)  }
0x1c8: {  	v23 =	vsub.f32 v23, v12;
	v30 =	vmul.f32 $1.442695020e+00, v30;
	v31 =	vmul.f32 $1.442695020e+00, v31;
	v61 =	vpop (erf)  }
0x1c9: {  	v19 =	vsub.f32 v19, v12;
	v28 =	vmul.f32 $1.442695020e+00, v28;
	v29 =	vmul.f32 $1.442695020e+00, v29;
	v45 =	vpop (erf)  }
0x1ca: {  	v50 =	vadd.f32 v53, v51;
	v27 =	vmul.f32 $1.442695020e+00, v27;
	v25 =	vmul.f32 $1.442695020e+00, v25;
	v49 =	vpop (erf)  }
0x1cb: {  	v63 =	vmul.f32 $1.442695020e+00, v62;
	v15 =	vadd.f32 v17, v15;
	v26 =	vadd.f32 v58, v56;
	v56 =	vld [tilespmem:s1+$0x0];
	v51 =	vpop (erf)  }
0x1cc: {  	v60 =	vsub.f32 v33, v12;
	v23 =	vmul.f32 $1.442695020e+00, v23;
	v19 =	vmul.f32 $1.442695020e+00, v19;
	v52 =	vpop (erf)  }
0x1cd: {  	v48 =	vld [tilespmem:s5+$0x30];
	v58 =	vsub.f32 v32, v12;
	v9 =	vadd.f32 v15, v9;
	v53 =	vpop (erf);
	(erf) = vpow2.f32 v30  }
0x1ce: {  	v54 =	vadd.f32 v45, v61;
	v24 =	vadd.f32 v26, v50;
	v55 =	vpop (erf);
	(erf) = vpow2.f32 v31  }
0x1cf: {  	v26 =	vmul.f32 $1.442695020e+00, v58;
	v61 =	vsub.f32 v35, v12;
	v57 =	vpop (erf);
	(erf) = vpow2.f32 v28  }
0x1d0: {  	v16 =	vld.idx.msk [tilespmem:v16+s2+$0x0], $0xffff;
	v35 =	vmin.f32 v18, $1.000000000e+00;
	v59 =	vcvt.s32.f32 v56;
	(erf) = vpow2.f32 v29  }
0x1d1: {  	v39 =	vadd.f32 v51, v49;
	v30 =	vld [tilespmem:s5+$0x20];
	(erf) = vpow2.f32 v27;
	v27 =	vmul.f32 $1.442695020e+00, v60  }
0x1d2: {  	v22 =	vadd.f32 v53, v52;
	(erf) = vpow2.f32 v26;
	v26 =	vmul.f32 $1.442695020e+00, v61  }
0x1d3: {  	v33 =	vld [tilespmem:s1+$0x10];
	v34 =	vadd.f32 v39, v54;
	v36 =	vadd.f32 v57, v55;
	(erf) = vpow2.f32 v27  }
0x1d4: {  	v46 =	vsub.f32 v18, v35;
	v39 =	vmul.f32 $5.000000000e-01, v35;
	(erf) = vpow2.f32 v26  }
0x1d5: {  	v62 =	vld.idx.msk [tilespmem:v48+s18+$0x0], $0xffff;
	v24 =	vadd.f32 v34, v24;
	v22 =	vadd.f32 v36, v22;
	(erf) = vpow2.f32 v25  }
0x1d6: {  	v9 =	vsub.f32 v9, v16;
	v20 =	vmul.f32 v59, v20;
	v37 =	vpop (erf);
	(erf) = vpow2.f32 v63  }
0x1d7: {  	v42 =	vmul.f32 v59, v21;
	v43 =	vadd.f32 v24, v22;
	v38 =	vpop (erf);
	(erf) = vpow2.f32 v23  }
0x1d8: {  	v11 =	vadd.f32 v20, v11;
	v20 =	vcvt.s32.f32 v33;
	v40 =	vpop (erf);
	(erf) = vpow2.f32 v19  }
0x1d9: {  	v13 =	vadd.f32 v59, v13;
	v45 =	vmul.f32 v39, v35;
	v53 =	vld.idx.msk [tilespmem:v30+s18+$0x0], $0xffff;
	v24 =	vand.u32 $0x7FFFFF, v43;
	v41 =	vpop (erf)  }
0x1da: {  	v34 =	vshll.u32 v62, $0xA;
	v9 =	vmul.f32 v20, v9;
	v50 =	vor.u32 $0x3F800000, v24;
	v44 =	vpop (erf)  }
0x1db: {  	v15 =	vadd.f32 v45, v46;
	v21 =	vshra.s32 v43, $0x17;
	v16 =	vadd.f32 $-1.000000000e+00, v50;
	v47 =	vpop (erf)  }
0x1dc: {  	v9 =	vadd.f32 v9, v11;
	v21 =	vadd.s32 $0xFFFFFF81, v21;
	v26 =	vadd.f32 v38, v37;
	v49 =	vpop (erf)  }
0x1dd: {  	v11 =	vcvt.s32.f32 v21;
	v55 =	vmul.f32 v16, v16;
	v19 =	vadd.f32 v41, v40;
	v51 =	vpop (erf)  }
0x1de: {  	v57 =	vmul.f32 $3.272257150e-01, v16;
	v60 =	vmul.f32 $9.999670980e-01, v16;
	v61 =	vshll.u32 v53, $0xA;
	v52 =	vpop (erf)  }
0x1df: {  	v63 =	vmul.f32 $1.308334320e-01, v16;
	v16 =	vmul.f32 $1.000928970e-02, v16;
	v28 =	vshll.u32 v53, $0x7;
	v54 =	vpop (erf)  }
0x1e0: {  	v31 =	vand.u32 $0xFFFFE000, v61;
	v18 =	vadd.f32 v47, v44;
	v17 =	vadd.f32 v51, v49;
	v56 =	vpop (erf)  }
0x1e1: {  	v33 =	vand.u32 $0x380, v28;
	v19 =	vadd.f32 v19, v26;
	v24 =	vadd.f32 v54, v52;
	v59 =	vpop (erf)  }
0x1e2: {  	v58 =	vmul.f32 v55, v55;
	v17 =	vadd.f32 v17, v18;
	v27 =	vadd.f32 v59, v56  }
0x1e3: {  	v23 =	vadd.f32 $-4.992850420e-01, v57;
	v16 =	vadd.f32 $-5.243753640e-02, v16;
	v31 =	vadd.s32 v8, v31  }
0x1e4: {  	v26 =	vshll.u32 v62, $0x7;
	v17 =	vadd.f32 v17, v19;
	v24 =	vadd.f32 v27, v24  }
0x1e5: {  	v37 =	vadd.f32 $2.554673130e-07, v60;
	v36 =	vand.u32 $0x380, v26;
	v16 =	vmul.f32 v16, v55  }
0x1e6: {  	v19 =	vor.u32 v33, v31;
	v17 =	vadd.f32 v17, v24;
	v24 =	vand.u32 $0xFFFFE000, v34  }
0x1e7: {  	v25 =	vld.idx.msk [tilespmem:v48+s22+$0x0], $0xffff;
	v18 =	vadd.f32 $-2.231658700e-01, v63;
	v19 =	vor.u32 v6, v19;
	v8 =	vadd.s32 v8, v24  }
0x1e8: {  	v38 =	vld.idx.msk [tilespmem:v30+s22+$0x0], $0xffff;
	v23 =	vmul.f32 v23, v55;
	v35 =	vand.u32 $0x7FFFFF, v17;
	v8 =	vor.u32 v36, v8  }
0x1e9: {  	v16 =	vadd.f32 v16, v18;
	v27 =	vor.u32 $0x3F800000, v35;
	v8 =	vor.u32 v7, v8  }
0x1ea: {  	v14 =	vadd.f32 v42, v14;
	v15 =	vmul.f32 v20, v15;
	v27 =	vadd.f32 $-1.000000000e+00, v27  }
0x1eb: {  	v11 =	vmul.f32 $6.931471820e-01, v11;
	v23 =	vadd.f32 v23, v37;
	v16 =	vmul.f32 v16, v58  }
0x1ec: {  	v14 =	vadd.f32 v15, v14;
	v48 =	vmul.f32 $3.819718600e+00, v25;
	v40 =	vld.idx.msk [tilespmem:v19+s20+$0x0], $0xffff;
	v39 =	vmul.f32 $1.000928970e-02, v27  }
0x1ed: {  	v18 =	vmul.f32 $3.819718600e+00, v38;
	v16 =	vadd.f32 v16, v23;
	v41 =	vmul.f32 v27, v27  }
0x1ee: {  	v42 =	vmul.f32 $3.272257150e-01, v27;
	v43 =	vmul.f32 $1.308334320e-01, v27;
	v21 =	vadd.f32 $-5.243753640e-02, v39;
	v46 =	vld.idx.msk [tilespmem:v8+s20+$0x0], $0xffff  }
0x1ef: {  	v17 =	vshra.s32 v17, $0x17;
	v11 =	vadd.f32 v16, v11;
	v44 =	vmul.f32 $9.999670980e-01, v27  }
0x1f0: {  	v26 =	vadd.f32 $-4.992850420e-01, v42;
	v45 =	vadd.f32 $-2.231658700e-01, v43;
	v21 =	vmul.f32 v21, v41  }
0x1f1: {  	v17 =	vadd.s32 $0xFFFFFF81, v17;
	v18 =	vsub.f32 v40, v18;
	v47 =	vmul.f32 v41, v41  }
0x1f2: {  	v49 =	vld [tilespmem:s1+$0x20];
	v23 =	vadd.f32 $2.554673130e-07, v44;
	v24 =	vmul.f32 v26, v41;
	v21 =	vadd.f32 v21, v45  }
0x1f3: {  	v50 =	vld.idx.msk [tilespmem:v19+s2+$0x0], $0xffff;
	v17 =	vcvt.s32.f32 v17;
	v18 =	vand.u32 $0x7FFFFFFF, v18;
	v51 =	vsub.f32 v46, v48  }
0x1f4: {  	v52 =	vmin.f32 v18, $1.000000000e+00;
	v23 =	vadd.f32 v24, v23;
	v21 =	vmul.f32 v21, v47  }
0x1f5: {  	v53 =	vld [tilespmem:s1+$0x30];
	v10 =	vadd.f32 v11, v10;
	v54 =	vmul.f32 $5.000000000e-01, v52;
	v19 =	vand.u32 $0x7FFFFFFF, v51  }
0x1f6: {  	v17 =	vmul.f32 $6.931471820e-01, v17;
	v21 =	vadd.f32 v21, v23;
	v55 =	vmin.f32 v19, $1.000000000e+00  }
0x1f7: {  	v8 =	vld.idx.msk [tilespmem:v8+s2+$0x0], $0xffff;
	v18 =	vsub.f32 v18, v52;
	v15 =	vmul.f32 v54, v52;
	v56 =	vmul.f32 $5.000000000e-01, v55  }
0x1f8: {  	v57 =	vcvt.s32.f32 v49;
	v10 =	vsub.f32 v10, v50;
	v11 =	vadd.f32 v21, v17  }
0x1f9: {  	v58 =	vadd.f32 v15, v18;
	v60 =	vsub.f32 v19, v55;
	v59 =	vmul.f32 v56, v55  }
0x1fa: {  	s0 =	sadd.s32 $0x8, s0;
	v61 =	vcvt.s32.f32 v53;
	v11 =	vadd.f32 v11, v12  }
0x1fb: {  	p0 =	slt.u32 s0, $0x38;
	v10 =	vmul.f32 v57, v10;
	v12 =	vmul.f32 v57, v58;
	v62 =	vadd.f32 v59, v60  }
.Ltmp0:
0x1fc: {  	v8 =	vsub.f32 v11, v8;
	v11 =	vadd.f32 v20, v13;
	(pc) =	sbr.rel @p0 .LBB2_2-.Ltmp0, $4  }
0x1fd: {  	v9 =	vadd.f32 v10, v9;
	v10 =	vadd.f32 v12, v14;
	v13 =	vmul.f32 v61, v62  }
0x1fe: {  	v8 =	vmul.f32 v61, v8;
	v63 =	vadd.f32 v57, v11  }
0x1ff: {  	s30 =	sadd.s32 $0x80, s30;
	v10 =	vadd.f32 v13, v10  }
0x200: {  	s31 =	sadd.s32 $0x400, s31;
	s5 =	sadd.s32 $0x100, s5;
	s1 =	sadd.s32 $0x100, s1;
	v11 =	vadd.f32 v8, v9;
	v9 =	vadd.f32 v61, v63  }
0x201: {  	_ =	swait.ge [sflag:s28], $0x3000  }
0x202: {  	[sflag:s28] =	ssyncset.done $0x0  }
0x203: {  	[sflag:s28] =	ssyncadd.s32 $0xFFFFD000  }
0x204: {  	s30 =	simm.s32 $0xFFFFFFF8;
	_ =	swait.ge [sflag:s28], $0x3000  }
0x205: {  	s31 =	simm.s32 $0x8000;
	s0 =	simm.s32 $0x0;
	[sflag:s28] =	ssyncset.done $0x0  }
0x206: {  	s1 =	simm.s32 $0x10AF0;
	s5 =	simm.s32 $0x102F0;
	[sflag:s28] =	ssyncadd.s32 $0xFFFFD000  }
.LBB2_4:
0x207: {  	v8 =	vld [tilespmem:s31+$0x0]  }
0x208: {  	v12 =	vld [tilespmem:s31+$0x80]  }
0x209: {  	v14 =	vld [tilespmem:s31+$0x100]  }
0x20a: {  	v15 =	vld [tilespmem:s31+$0x180]  }
0x20b: {  	v16 =	vld [tilespmem:s31+$0x200]  }
0x20c: {  	v17 =	vld [tilespmem:s31+$0x280]  }
0x20d: {  	v18 =	vld [tilespmem:s31+$0x300]  }
0x20e: {  	v19 =	vld [tilespmem:s31+$0x380]  }
0x20f: {  	v20 =	vld [tilespmem:s31+$0x2000]  }
0x210: {  	v21 =	vld [tilespmem:s31+$0x2080]  }
0x211: {  	v22 =	vld [tilespmem:s31+$0x2100]  }
0x212: {  	v23 =	vld [tilespmem:s31+$0x2180];
	_ =	sdelay $0x2  }
0x213: {  	v13 =	vmax.f32 v8, v12;
	v24 =	vmax.f32 v14, v15  }
0x214: {  	v25 =	vmax.f32 v16, v17;
	v26 =	vmax.f32 v18, v19;
	v27 =	vmax.f32 v20, v21  }
0x215: {  	v28 =	vmax.f32 v22, v23;
	v13 =	vmax.f32 v13, v24;
	v59 =	vmax.f32 v25, v26  }
0x216: {  	v60 =	vmax.f32 v27, v28;
	v13 =	vmax.f32 v13, v59  }
0x217: {  	v13 =	vmax.f32 v13, v60  }
0x218: {  	v8 =	vsub.f32 v8, v13  }
0x219: {  	v12 =	vsub.f32 v12, v13  }
0x21a: {  	v14 =	vsub.f32 v14, v13;
	v8 =	vmul.f32 $1.442695020e+00, v8  }
0x21b: {  	v44 =	vld [tilespmem:s5+$0xFFFFFF90];
	v15 =	vsub.f32 v15, v13;
	v12 =	vmul.f32 $1.442695020e+00, v12  }
0x21c: {  	v48 =	vld [tilespmem:s31+$0x10];
	v61 =	vsub.f32 v16, v13;
	(erf) = vpow2.f32 v8;
	v8 =	vmul.f32 $1.442695020e+00, v14  }
0x21d: {  	v50 =	vld [tilespmem:s31+$0x90];
	v63 =	vsub.f32 v17, v13;
	v62 =	vmul.f32 $1.442695020e+00, v15;
	(erf) = vpow2.f32 v12  }
0x21e: {  	v51 =	vld [tilespmem:s31+$0x110];
	v24 =	vsub.f32 v18, v13;
	(erf) = vpow2.f32 v8;
	v8 =	vmul.f32 $1.442695020e+00, v61  }
0x21f: {  	v52 =	vld [tilespmem:s31+$0x190];
	v26 =	vsub.f32 v19, v13;
	v25 =	vmul.f32 $1.442695020e+00, v63;
	(erf) = vpow2.f32 v62  }
0x220: {  	v53 =	vld [tilespmem:s31+$0x210];
	v27 =	vsub.f32 v20, v13;
	(erf) = vpow2.f32 v8;
	v8 =	vmul.f32 $1.442695020e+00, v24  }
0x221: {  	v54 =	vld [tilespmem:s31+$0x290];
	v28 =	vmul.f32 $1.442695020e+00, v26;
	(erf) = vpow2.f32 v25  }
0x222: {  	v55 =	vld [tilespmem:s31+$0x310];
	v30 =	vsub.f32 v22, v13;
	(erf) = vpow2.f32 v8;
	v8 =	vmul.f32 $1.442695020e+00, v27  }
0x223: {  	v56 =	vld [tilespmem:s31+$0x390];
	v29 =	vsub.f32 v21, v13;
	(erf) = vpow2.f32 v28  }
0x224: {  	v58 =	vld [tilespmem:s31+$0x2010];
	(erf) = vpow2.f32 v8;
	v8 =	vmul.f32 $1.442695020e+00, v30  }
0x225: {  	v59 =	vld [tilespmem:s31+$0x2090];
	v32 =	vsub.f32 v23, v13;
	v31 =	vmul.f32 $1.442695020e+00, v29  }
0x226: {  	v60 =	vld [tilespmem:s31+$0x2110];
	v33 =	vpop (erf)  }
0x227: {  	v34 =	vmul.f32 $1.442695020e+00, v32;
	v61 =	vld [tilespmem:s31+$0x2190];
	(erf) = vpow2.f32 v31;
	v35 =	vpop (erf)  }
0x228: {  	v57 =	vadd.s32 $0x80, v44;
	v63 =	vmax.f32 v48, v50;
	(erf) = vpow2.f32 v8;
	v8 =	vpop (erf)  }
0x229: {  	(erf) = vpow2.f32 v34;
	v14 =	vadd.f32 v35, v33;
	v34 =	vmax.f32 v51, v52;
	v36 =	vpop (erf)  }
0x22a: {  	v35 =	vmax.f32 v53, v54;
	v37 =	vpop (erf);
	v8 =	vadd.f32 v36, v8;
	v36 =	vmax.f32 v55, v56  }
0x22b: {  	v12 =	vmax.f32 v63, v34;
	v38 =	vpop (erf);
	v36 =	vmax.f32 v35, v36  }
0x22c: {  	v16 =	vadd.f32 v38, v37;
	v37 =	vmax.f32 v58, v59;
	v38 =	vmax.f32 v60, v61  }
0x22d: {  	v63 =	vld [tilespmem:s5+$0xFFFFFFA0];
	v39 =	vpop (erf);
	v12 =	vmax.f32 v12, v36;
	v38 =	vmax.f32 v37, v38  }
0x22e: {  	v31 =	vld.idx.msk [tilespmem:v57+s18+$0x0], $0xffff;
	v8 =	vadd.f32 v8, v14;
	v40 =	vpop (erf);
	v12 =	vmax.f32 v12, v38  }
0x22f: {  	v46 =	vadd.f32 v40, v39;
	v19 =	vsub.f32 v48, v12  }
0x230: {  	v17 =	vsub.f32 v51, v12;
	v14 =	vsub.f32 v52, v12  }
0x231: {  	v62 =	vmov s0;
	v41 =	vpop (erf);
	v18 =	vsub.f32 v53, v12;
	v40 =	vsub.f32 v54, v12  }
0x232: {  	v26 =	vadd.s32 $0x80, v63;
	v42 =	vpop (erf);
	v44 =	vsub.f32 v56, v12;
	v48 =	vsub.f32 v59, v12  }
0x233: {  	v39 =	vshll.u32 v31, $0xA;
	v52 =	vsub.f32 v61, v12;
	v43 =	vpop (erf);
	v47 =	vadd.f32 v42, v41  }
0x234: {  	v49 =	vadd.f32 v46, v16;
	v16 =	vsub.f32 v50, v12;
	v45 =	vpop (erf);
	v19 =	vmul.f32 $1.442695020e+00, v19  }
0x235: {  	v17 =	vmul.f32 $1.442695020e+00, v17;
	v14 =	vmul.f32 $1.442695020e+00, v14;
	v15 =	vadd.f32 v45, v43  }
0x236: {  	v42 =	vsub.f32 v55, v12;
	v41 =	vmul.f32 $1.442695020e+00, v18;
	v16 =	vmul.f32 $1.442695020e+00, v16  }
0x237: {  	v8 =	vadd.f32 v49, v8;
	(erf) = vpow2.f32 v19;
	v15 =	vadd.f32 v15, v47  }
0x238: {  	v46 =	vsub.f32 v58, v12;
	v51 =	vmul.f32 $1.442695020e+00, v48;
	(erf) = vpow2.f32 v16  }
0x239: {  	v58 =	vmul.f32 $1.442695020e+00, v52;
	(erf) = vpow2.f32 v17;
	v15 =	vadd.f32 v8, v15  }
0x23a: {  	v50 =	vsub.f32 v60, v12;
	v43 =	vmul.f32 $1.442695020e+00, v40;
	(erf) = vpow2.f32 v14  }
0x23b: {  	v45 =	vmul.f32 $1.442695020e+00, v42;
	(erf) = vpow2.f32 v41;
	v8 =	vand.u32 $0x7FFFFF, v15  }
0x23c: {  	v47 =	vmul.f32 $1.442695020e+00, v44;
	(erf) = vpow2.f32 v43;
	v8 =	vor.u32 $0x3F800000, v8  }
0x23d: {  	v56 =	vld.idx.msk [tilespmem:v57+s22+$0x0], $0xffff;
	v49 =	vmul.f32 $1.442695020e+00, v46;
	(erf) = vpow2.f32 v45;
	v8 =	vadd.f32 $-1.000000000e+00, v8  }
0x23e: {  	v31 =	vshll.u32 v31, $0x7;
	v54 =	vmul.f32 $1.442695020e+00, v50;
	(erf) = vpow2.f32 v47  }
0x23f: {  	v35 =	vld [tilespmem:s31+$0x2A0];
	v34 =	vand.u32 $0xFFFFE000, v39;
	(erf) = vpow2.f32 v49;
	v27 =	vmul.f32 v8, v8  }
0x240: {  	v31 =	vand.u32 $0x380, v31;
	v48 =	vld [tilespmem:s31+$0x220];
	v29 =	vmul.f32 $9.999670980e-01, v8;
	v30 =	vmul.f32 $3.272257150e-01, v8  }
0x241: {  	v52 =	vld [tilespmem:s31+$0x320];
	v32 =	vmul.f32 $1.308334320e-01, v8;
	v33 =	vmul.f32 $1.000928970e-02, v8;
	v8 =	vshrl.u32 v62, $0x7;
	v57 =	vpop (erf)  }
0x242: {  	v19 =	vld [tilespmem:s1+$0xFFFFFF90];
	v46 =	vmul.f32 $3.819718600e+00, v56;
	(erf) = vpow2.f32 v51;
	v8 =	vshll.u32 v8, $0xA;
	v61 =	vpop (erf)  }
0x243: {  	v56 =	vld [tilespmem:s31+$0x2020];
	(erf) = vpow2.f32 v54;
	v8 =	vbroadcast v8, $0x0;
	v53 =	vadd.f32 $-5.243753640e-02, v33;
	v40 =	vpop (erf)  }
0x244: {  	v15 =	vshra.s32 v15, $0x17;
	v54 =	vld [tilespmem:s31+$0x3A0];
	v55 =	vadd.f32 $-4.992850420e-01, v30;
	(erf) = vpow2.f32 v58;
	v42 =	vpop (erf)  }
0x245: {  	v59 =	vadd.f32 $-2.231658700e-01, v32;
	v30 =	vld [tilespmem:s31+$0xA0];
	v34 =	vor.u32 v34, v8;
	v20 =	vmul.f32 v53, v27;
	v43 =	vpop (erf)  }
0x246: {  	v41 =	vadd.f32 $2.554673130e-07, v29;
	v32 =	vld [tilespmem:s31+$0x1A0];
	v18 =	vmul.f32 v55, v27;
	v31 =	vor.u32 v31, v34;
	v44 =	vpop (erf)  }
0x247: {  	v23 =	vadd.f32 v61, v57;
	v57 =	vld.idx.msk [tilespmem:v26+s18+$0x0], $0xffff;
	v31 =	vor.u32 v0, v31;
	v16 =	vadd.f32 v20, v59;
	v45 =	vpop (erf)  }
0x248: {  	v62 =	vmul.f32 v27, v27;
	v27 =	vld [tilespmem:s31+$0x20];
	v14 =	vadd.f32 v18, v41;
	v20 =	vadd.f32 v42, v40;
	v47 =	vpop (erf)  }
0x249: {  	v15 =	vadd.s32 $0xFFFFFF81, v15;
	v18 =	vld [tilespmem:s31+$0x120];
	v17 =	vadd.f32 v44, v43;
	v22 =	vadd.f32 v47, v45  }
0x24a: {  	v15 =	vcvt.s32.f32 v15;
	v16 =	vmul.f32 v16, v62;
	v49 =	vpop (erf);
	v20 =	vadd.f32 v20, v23;
	v23 =	vld [tilespmem:s31+$0x21A0]  }
0x24b: {  	v51 =	vpop (erf);
	v17 =	vadd.f32 v22, v17;
	v22 =	vld [tilespmem:s31+$0x2120]  }
0x24c: {  	v15 =	vmul.f32 $6.931471820e-01, v15;
	v14 =	vadd.f32 v16, v14;
	v53 =	vpop (erf);
	v60 =	vld.idx.msk [tilespmem:v31+s25+$0x0], $0xffff  }
0x24d: {  	v16 =	vadd.f32 v51, v49;
	v21 =	vld.idx.msk [tilespmem:v31+s24+$0x0], $0xffff;
	v55 =	vpop (erf)  }
0x24e: {  	v31 =	vld [tilespmem:s31+$0x20A0];
	v14 =	vadd.f32 v14, v15;
	v28 =	vadd.f32 v55, v53  }
0x24f: {  	v61 =	vmax.f32 v52, v54;
	v44 =	vshll.u32 v57, $0xA;
	v17 =	vadd.f32 v17, v20  }
0x250: {  	v58 =	vmax.f32 v27, v30;
	v13 =	vadd.f32 v14, v13;
	v16 =	vadd.f32 v28, v16  }
0x251: {  	v59 =	vmax.f32 v18, v32;
	v14 =	vcvt.s32.f32 v19;
	v50 =	vsub.f32 v60, v46  }
0x252: {  	v63 =	vmax.f32 v22, v23;
	v19 =	vsub.f32 v13, v21;
	v17 =	vadd.f32 v17, v16  }
0x253: {  	v60 =	vmax.f32 v48, v35;
	v62 =	vmax.f32 v56, v31;
	v13 =	vmax.f32 v58, v59  }
0x254: {  	v16 =	vand.u32 $0xFFFFE000, v44;
	v21 =	vshll.u32 v57, $0x7;
	v40 =	vmax.f32 v60, v61  }
0x255: {  	v42 =	vmax.f32 v62, v63;
	v16 =	vadd.s32 v8, v16;
	v21 =	vand.u32 $0x380, v21  }
0x256: {  	v15 =	vand.u32 $0x7FFFFFFF, v50;
	v13 =	vmax.f32 v13, v40;
	v43 =	vand.u32 $0x7FFFFF, v17  }
0x257: {  	v19 =	vmul.f32 v14, v19;
	v20 =	vmin.f32 v15, $1.000000000e+00;
	v13 =	vmax.f32 v13, v42  }
0x258: {  	v62 =	vor.u32 $0x3F800000, v43;
	v27 =	vsub.f32 v27, v13;
	v30 =	vsub.f32 v30, v13  }
0x259: {  	v41 =	vmul.f32 $5.000000000e-01, v20;
	v18 =	vsub.f32 v18, v13;
	v47 =	vsub.f32 v32, v13  }
0x25a: {  	v48 =	vsub.f32 v48, v13;
	v50 =	vsub.f32 v35, v13;
	v45 =	vmul.f32 $1.442695020e+00, v27  }
0x25b: {  	v52 =	vsub.f32 v52, v13;
	v46 =	vmul.f32 $1.442695020e+00, v30;
	v18 =	vmul.f32 $1.442695020e+00, v18  }
0x25c: {  	v25 =	vsub.f32 v54, v13;
	v49 =	vmul.f32 $1.442695020e+00, v47;
	v51 =	vmul.f32 $1.442695020e+00, v48  }
0x25d: {  	v55 =	vsub.f32 v56, v13;
	v53 =	vmul.f32 $1.442695020e+00, v50;
	v54 =	vmul.f32 $1.442695020e+00, v52  }
0x25e: {  	v57 =	vsub.f32 v31, v13;
	v56 =	vmul.f32 $1.442695020e+00, v25;
	(erf) = vpow2.f32 v45  }
0x25f: {  	v59 =	vsub.f32 v22, v13;
	v58 =	vmul.f32 $1.442695020e+00, v55;
	(erf) = vpow2.f32 v46  }
0x260: {  	v23 =	vsub.f32 v23, v13;
	v61 =	vmul.f32 $1.442695020e+00, v57;
	(erf) = vpow2.f32 v18  }
0x261: {  	v36 =	vld [tilespmem:s31+$0x230];
	v43 =	vadd.f32 $-1.000000000e+00, v62;
	v42 =	vmul.f32 $1.442695020e+00, v59;
	(erf) = vpow2.f32 v49  }
0x262: {  	v38 =	vld [tilespmem:s31+$0x2B0];
	v16 =	vor.u32 v21, v16;
	v23 =	vmul.f32 $1.442695020e+00, v23;
	(erf) = vpow2.f32 v51  }
0x263: {  	v29 =	vld [tilespmem:s31+$0x20B0];
	v16 =	vor.u32 v1, v16;
	v48 =	vmul.f32 $3.272257150e-01, v43;
	(erf) = vpow2.f32 v53  }
0x264: {  	v44 =	vld [tilespmem:s5+$0xFFFFFFB0];
	v50 =	vmul.f32 $1.000928970e-02, v43;
	(erf) = vpow2.f32 v54  }
0x265: {  	v60 =	vld.idx.msk [tilespmem:v26+s22+$0x0], $0xffff;
	v15 =	vsub.f32 v15, v20;
	v52 =	vmul.f32 v43, v43;
	(erf) = vpow2.f32 v56  }
0x266: {  	v31 =	vld [tilespmem:s31+$0x130];
	v11 =	vadd.f32 v19, v11;
	v46 =	vmul.f32 v41, v20;
	(erf) = vpow2.f32 v58  }
0x267: {  	v35 =	vld [tilespmem:s31+$0x1B0];
	v55 =	vmul.f32 $1.308334320e-01, v43;
	v28 =	vadd.f32 $-4.992850420e-01, v48;
	v45 =	vpop (erf);
	(erf) = vpow2.f32 v61  }
0x268: {  	v63 =	vld.idx.msk [tilespmem:v16+s25+$0x0], $0xffff;
	v15 =	vadd.f32 v46, v15;
	v53 =	vmul.f32 $9.999670980e-01, v43;
	v47 =	vpop (erf);
	(erf) = vpow2.f32 v42  }
0x269: {  	v26 =	vld [tilespmem:s31+$0x2030];
	v25 =	vadd.s32 $0x80, v44;
	v28 =	vmul.f32 v28, v52;
	v49 =	vpop (erf);
	(erf) = vpow2.f32 v23  }
0x26a: {  	v40 =	vld [tilespmem:s31+$0x330];
	v15 =	vmul.f32 v14, v15;
	v56 =	vadd.f32 $-5.243753640e-02, v50;
	v33 =	vadd.f32 $2.554673130e-07, v53;
	v51 =	vpop (erf)  }
0x26b: {  	v22 =	vmul.f32 $3.819718600e+00, v60;
	v44 =	vld [tilespmem:s31+$0x2130];
	v19 =	vadd.f32 $-2.231658700e-01, v55;
	v32 =	vmul.f32 v52, v52;
	v54 =	vpop (erf)  }
0x26c: {  	v15 =	vadd.f32 v15, v10;
	v21 =	vmul.f32 v56, v52;
	v59 =	vadd.f32 v28, v33;
	v33 =	vld [tilespmem:s31+$0x3B0];
	v57 =	vpop (erf)  }
0x26d: {  	v18 =	vld [tilespmem:s31+$0x30];
	v10 =	vshra.s32 v17, $0x17;
	v50 =	vmax.f32 v31, v35;
	v61 =	vsub.f32 v63, v22;
	v58 =	vpop (erf)  }
0x26e: {  	v46 =	vld [tilespmem:s31+$0x21B0];
	v53 =	vmax.f32 v26, v29;
	v10 =	vadd.s32 $0xFFFFFF81, v10;
	v19 =	vadd.f32 v21, v19;
	v39 =	vpop (erf)  }
0x26f: {  	v48 =	vld.idx.msk [tilespmem:v25+s18+$0x0], $0xffff;
	v10 =	vcvt.s32.f32 v10;
	v20 =	vadd.f32 v47, v45;
	v21 =	vand.u32 $0x7FFFFFFF, v61;
	v60 =	vpop (erf)  }
0x270: {  	v23 =	vld [tilespmem:s31+$0xB0];
	v63 =	vadd.f32 v51, v49;
	v19 =	vmul.f32 v19, v32;
	v51 =	vmax.f32 v36, v38;
	v62 =	vpop (erf)  }
0x271: {  	v52 =	vmax.f32 v40, v33;
	v24 =	vadd.f32 v57, v54;
	v43 =	vadd.f32 v39, v58;
	v41 =	vpop (erf)  }
0x272: {  	v39 =	vmul.f32 $6.931471820e-01, v10;
	v10 =	vadd.f32 v63, v20;
	v22 =	vadd.f32 v62, v60;
	v42 =	vpop (erf)  }
0x273: {  	v54 =	vmax.f32 v44, v46;
	v47 =	vadd.f32 v43, v24;
	v45 =	vadd.f32 v42, v41  }
0x274: {  	v55 =	vmax.f32 v51, v52;
	v17 =	vadd.f32 v19, v59;
	v57 =	vshll.u32 v48, $0xA  }
0x275: {  	v49 =	vmax.f32 v18, v23;
	v10 =	vadd.f32 v47, v10;
	v22 =	vadd.f32 v45, v22  }
0x276: {  	v19 =	vmin.f32 v21, $1.000000000e+00;
	v27 =	vand.u32 $0xFFFFE000, v57;
	v20 =	vmax.f32 v49, v50  }
0x277: {  	v20 =	vmax.f32 v20, v55;
	v22 =	vadd.f32 v10, v22;
	v10 =	vmax.f32 v53, v54  }
0x278: {  	v27 =	vadd.s32 v8, v27;
	v17 =	vadd.f32 v17, v39;
	v10 =	vmax.f32 v20, v10  }
0x279: {  	v50 =	vmul.f32 $5.000000000e-01, v19;
	v18 =	vsub.f32 v18, v10;
	v23 =	vsub.f32 v23, v10  }
0x27a: {  	v24 =	vshll.u32 v48, $0x7;
	v58 =	vsub.f32 v31, v10;
	v59 =	vsub.f32 v35, v10  }
0x27b: {  	v28 =	vmul.f32 v50, v19;
	v61 =	vsub.f32 v36, v10;
	v63 =	vsub.f32 v38, v10  }
0x27c: {  	v56 =	vand.u32 $0x7FFFFF, v22;
	v35 =	vsub.f32 v40, v10;
	v38 =	vsub.f32 v33, v10  }
0x27d: {  	v26 =	vsub.f32 v26, v10;
	v18 =	vmul.f32 $1.442695020e+00, v18;
	v23 =	vmul.f32 $1.442695020e+00, v23  }
0x27e: {  	v42 =	vsub.f32 v29, v10;
	v60 =	vmul.f32 $1.442695020e+00, v58;
	v62 =	vmul.f32 $1.442695020e+00, v59  }
0x27f: {  	v44 =	vsub.f32 v44, v10;
	v34 =	vmul.f32 $1.442695020e+00, v61;
	v36 =	vmul.f32 $1.442695020e+00, v63  }
0x280: {  	v46 =	vsub.f32 v46, v10;
	v40 =	vmul.f32 $1.442695020e+00, v35;
	v41 =	vmul.f32 $1.442695020e+00, v38  }
0x281: {  	v20 =	vor.u32 $0x3F800000, v56;
	v43 =	vmul.f32 $1.442695020e+00, v26;
	v45 =	vmul.f32 $1.442695020e+00, v42  }
0x282: {  	v47 =	vmul.f32 $1.442695020e+00, v44;
	v20 =	vadd.f32 $-1.000000000e+00, v20;
	(erf) = vpow2.f32 v18  }
0x283: {  	v19 =	vsub.f32 v21, v19;
	v48 =	vmul.f32 $1.442695020e+00, v46;
	(erf) = vpow2.f32 v23  }
0x284: {  	v24 =	vand.u32 $0x380, v24;
	v53 =	vmul.f32 $3.272257150e-01, v20;
	(erf) = vpow2.f32 v60  }
0x285: {  	v52 =	vld.idx.msk [tilespmem:v16+s24+$0x0], $0xffff;
	v24 =	vor.u32 v24, v27;
	v54 =	vmul.f32 $1.000928970e-02, v20;
	(erf) = vpow2.f32 v62  }
0x286: {  	v12 =	vadd.f32 v17, v12;
	v56 =	vmul.f32 v20, v20;
	(erf) = vpow2.f32 v34  }
0x287: {  	v24 =	vor.u32 v2, v24;
	v18 =	vld [tilespmem:s1+$0xFFFFFFA0];
	v57 =	vmul.f32 $9.999670980e-01, v20;
	(erf) = vpow2.f32 v36  }
0x288: {  	v20 =	vmul.f32 $1.308334320e-01, v20;
	v16 =	vadd.f32 $-4.992850420e-01, v53;
	(erf) = vpow2.f32 v40  }
0x289: {  	v23 =	vadd.f32 $-5.243753640e-02, v54;
	v46 =	vmul.f32 v56, v56;
	(erf) = vpow2.f32 v41  }
0x28a: {  	v12 =	vsub.f32 v12, v52;
	v16 =	vmul.f32 v16, v56;
	(erf) = vpow2.f32 v43  }
0x28b: {  	v20 =	vadd.f32 $-2.231658700e-01, v20;
	v23 =	vmul.f32 v23, v56;
	v26 =	vpop (erf);
	(erf) = vpow2.f32 v45  }
0x28c: {  	v30 =	vld [tilespmem:s31+$0x1C0];
	v60 =	vadd.f32 $2.554673130e-07, v57;
	v18 =	vcvt.s32.f32 v18;
	v49 =	vpop (erf);
	(erf) = vpow2.f32 v47  }
0x28d: {  	v25 =	vld.idx.msk [tilespmem:v25+s22+$0x0], $0xffff;
	v20 =	vadd.f32 v23, v20;
	v41 =	vshra.s32 v22, $0x17;
	v51 =	vpop (erf);
	(erf) = vpow2.f32 v48  }
0x28e: {  	v44 =	vld [tilespmem:s5+$0xFFFFFFC0];
	v40 =	vadd.f32 v28, v19;
	v12 =	vmul.f32 v18, v12;
	v19 =	vadd.s32 $0xFFFFFF81, v41;
	v55 =	vpop (erf)  }
0x28f: {  	v42 =	vld.idx.msk [tilespmem:v24+s25+$0x0], $0xffff;
	v16 =	vadd.f32 v16, v60;
	v20 =	vmul.f32 v20, v46;
	v19 =	vcvt.s32.f32 v19;
	v58 =	vpop (erf)  }
0x290: {  	v17 =	vld [tilespmem:s1+$0xFFFFFFB0];
	v22 =	vadd.f32 v12, v11;
	v11 =	vmul.f32 v18, v40;
	v59 =	vpop (erf)  }
0x291: {  	v29 =	vld [tilespmem:s31+$0x40];
	v16 =	vadd.f32 v20, v16;
	v19 =	vmul.f32 $6.931471820e-01, v19;
	v62 =	vpop (erf)  }
0x292: {  	v61 =	vld.idx.msk [tilespmem:v24+s24+$0x0], $0xffff;
	v53 =	vmul.f32 $3.819718600e+00, v25;
	v26 =	vadd.f32 v49, v26;
	v31 =	vadd.f32 v11, v15;
	v63 =	vpop (erf)  }
0x293: {  	v35 =	vld [tilespmem:s31+$0xC0];
	v21 =	vadd.s32 $0x80, v44;
	v48 =	vadd.f32 v55, v51;
	v16 =	vadd.f32 v16, v19;
	v43 =	vpop (erf)  }
0x294: {  	v25 =	vld [tilespmem:s31+$0x240];
	v55 =	vsub.f32 v42, v53;
	v33 =	vadd.f32 v59, v58;
	v45 =	vpop (erf)  }
0x295: {  	v28 =	vld [tilespmem:s31+$0x140];
	v26 =	vadd.f32 v48, v26;
	v50 =	vadd.f32 v63, v62;
	v47 =	vpop (erf)  }
0x296: {  	v13 =	vadd.f32 v16, v13;
	v57 =	vand.u32 $0x7FFFFFFF, v55;
	v16 =	vld [tilespmem:s31+$0x2040];
	v23 =	vadd.f32 v45, v43;
	v49 =	vpop (erf)  }
0x297: {  	v58 =	vld [tilespmem:s31+$0x20C0];
	v19 =	vmin.f32 v57, $1.000000000e+00;
	v52 =	vadd.f32 v50, v33;
	v51 =	vadd.f32 v49, v47  }
0x298: {  	v11 =	vcvt.s32.f32 v17;
	v59 =	vmul.f32 $5.000000000e-01, v19;
	v17 =	vsub.f32 v13, v61;
	v63 =	vld.idx.msk [tilespmem:v21+s18+$0x0], $0xffff  }
0x299: {  	v61 =	vld [tilespmem:s31+$0x21C0];
	v54 =	vadd.f32 v52, v26;
	v23 =	vadd.f32 v51, v23  }
0x29a: {  	v9 =	vadd.f32 v14, v9;
	v14 =	vsub.f32 v57, v19;
	v33 =	vld [tilespmem:s31+$0x2140];
	v32 =	vmul.f32 v59, v19  }
0x29b: {  	v46 =	vmax.f32 v29, v35;
	v20 =	vld [tilespmem:s31+$0x340];
	v47 =	vmax.f32 v28, v30;
	v56 =	vadd.f32 v54, v23  }
0x29c: {  	v50 =	vmax.f32 v16, v58;
	v26 =	vld [tilespmem:s31+$0x2C0];
	v14 =	vadd.f32 v32, v14;
	v37 =	vmax.f32 v46, v47  }
0x29d: {  	v55 =	vshll.u32 v63, $0xA;
	v15 =	vshll.u32 v63, $0x7;
	v23 =	vld [tilespmem:s31+$0x3C0];
	v24 =	vand.u32 $0x7FFFFF, v56  }
0x29e: {  	v15 =	vand.u32 $0x380, v15;
	v12 =	vshra.s32 v56, $0x17;
	v24 =	vor.u32 $0x3F800000, v24  }
0x29f: {  	v51 =	vmax.f32 v33, v61;
	v19 =	vadd.s32 $0xFFFFFF81, v12;
	v60 =	vadd.f32 $-1.000000000e+00, v24  }
0x2a0: {  	v14 =	vmul.f32 v11, v14;
	v38 =	vmax.f32 v50, v51;
	v19 =	vcvt.s32.f32 v19  }
0x2a1: {  	v48 =	vmax.f32 v25, v26;
	v34 =	vmul.f32 v60, v60;
	v62 =	vmul.f32 $3.272257150e-01, v60  }
0x2a2: {  	v49 =	vmax.f32 v20, v23;
	v45 =	vmul.f32 $1.308334320e-01, v60;
	v53 =	vmul.f32 $9.999670980e-01, v60  }
0x2a3: {  	v39 =	vmax.f32 v48, v49;
	v13 =	vmul.f32 $1.000928970e-02, v60;
	v19 =	vmul.f32 $6.931471820e-01, v19  }
0x2a4: {  	v54 =	vmax.f32 v37, v39;
	v37 =	vand.u32 $0xFFFFE000, v55;
	v52 =	vmul.f32 v34, v34  }
0x2a5: {  	v42 =	vadd.f32 $-4.992850420e-01, v62;
	v36 =	vadd.f32 $-2.231658700e-01, v45;
	v12 =	vmax.f32 v54, v38  }
0x2a6: {  	v37 =	vadd.s32 v8, v37;
	v13 =	vadd.f32 $-5.243753640e-02, v13;
	v62 =	vadd.f32 $2.554673130e-07, v53  }
0x2a7: {  	v29 =	vsub.f32 v29, v12;
	v35 =	vsub.f32 v35, v12;
	v15 =	vor.u32 v15, v37  }
0x2a8: {  	v28 =	vsub.f32 v28, v12;
	v30 =	vsub.f32 v30, v12;
	v13 =	vmul.f32 v13, v34  }
0x2a9: {  	v27 =	vld [tilespmem:s31+$0x150];
	v25 =	vsub.f32 v25, v12;
	v43 =	vmul.f32 v42, v34;
	v29 =	vmul.f32 $1.442695020e+00, v29  }
0x2aa: {  	v21 =	vld.idx.msk [tilespmem:v21+s22+$0x0], $0xffff;
	v26 =	vsub.f32 v26, v12;
	v35 =	vmul.f32 $1.442695020e+00, v35;
	v28 =	vmul.f32 $1.442695020e+00, v28  }
0x2ab: {  	v51 =	vld [tilespmem:s31+$0x20D0];
	v15 =	vor.u32 v3, v15;
	v56 =	vmul.f32 $1.442695020e+00, v30;
	(erf) = vpow2.f32 v29  }
0x2ac: {  	v24 =	vld [tilespmem:s31+$0x1D0];
	v20 =	vsub.f32 v20, v12;
	v25 =	vmul.f32 $1.442695020e+00, v25;
	(erf) = vpow2.f32 v35  }
0x2ad: {  	v49 =	vld [tilespmem:s31+$0x2050];
	v23 =	vsub.f32 v23, v12;
	v26 =	vmul.f32 $1.442695020e+00, v26;
	(erf) = vpow2.f32 v28  }
0x2ae: {  	v16 =	vsub.f32 v16, v12;
	v37 =	vld [tilespmem:s31+$0x3D0];
	v20 =	vmul.f32 $1.442695020e+00, v20;
	(erf) = vpow2.f32 v56  }
0x2af: {  	v23 =	vmul.f32 $1.442695020e+00, v23;
	v13 =	vadd.f32 v13, v36;
	v35 =	vld [tilespmem:s31+$0x2D0];
	(erf) = vpow2.f32 v25  }
0x2b0: {  	v58 =	vsub.f32 v58, v12;
	v16 =	vmul.f32 $1.442695020e+00, v16;
	v57 =	vld.idx.msk [tilespmem:v15+s25+$0x0], $0xffff;
	(erf) = vpow2.f32 v26  }
0x2b1: {  	v29 =	vadd.f32 v43, v62;
	v46 =	vmul.f32 v13, v52;
	v15 =	vld.idx.msk [tilespmem:v15+s24+$0x0], $0xffff;
	(erf) = vpow2.f32 v20  }
0x2b2: {  	v60 =	vsub.f32 v33, v12;
	v59 =	vmul.f32 $1.442695020e+00, v58;
	v25 =	vld [tilespmem:s31+$0x250];
	(erf) = vpow2.f32 v23  }
0x2b3: {  	v61 =	vsub.f32 v61, v12;
	v29 =	vadd.f32 v46, v29;
	v26 =	vld [tilespmem:s31+$0x50];
	(erf) = vpow2.f32 v16  }
0x2b4: {  	v41 =	vmul.f32 $1.442695020e+00, v60;
	v13 =	vadd.f32 v18, v9;
	v20 =	vld [tilespmem:s31+$0xD0];
	v63 =	vpop (erf);
	(erf) = vpow2.f32 v59  }
0x2b5: {  	v9 =	vmul.f32 v11, v17;
	v19 =	vadd.f32 v29, v19;
	v23 =	vld [tilespmem:s31+$0x350];
	v16 =	vmul.f32 $1.442695020e+00, v61;
	v44 =	vpop (erf)  }
0x2b6: {  	v21 =	vmul.f32 $3.819718600e+00, v21;
	v14 =	vadd.f32 v14, v31;
	v29 =	vld [tilespmem:s31+$0x21D0];
	(erf) = vpow2.f32 v41;
	v45 =	vpop (erf)  }
0x2b7: {  	v10 =	vadd.f32 v19, v10;
	v47 =	vpop (erf);
	(erf) = vpow2.f32 v16;
	v16 =	vadd.f32 v9, v22;
	v22 =	vld [tilespmem:s31+$0x2150]  }
0x2b8: {  	v11 =	vadd.f32 v11, v13;
	v21 =	vsub.f32 v57, v21;
	v57 =	vmax.f32 v27, v24;
	v48 =	vpop (erf)  }
0x2b9: {  	v59 =	vmax.f32 v25, v35;
	v10 =	vsub.f32 v10, v15;
	v30 =	vadd.f32 v44, v63;
	v50 =	vpop (erf)  }
0x2ba: {  	v56 =	vmax.f32 v26, v20;
	v63 =	vmax.f32 v49, v51;
	v60 =	vmax.f32 v23, v37;
	v9 =	vpop (erf)  }
0x2bb: {  	v31 =	vmax.f32 v56, v57;
	v32 =	vadd.f32 v47, v45;
	v36 =	vmax.f32 v59, v60;
	v52 =	vpop (erf)  }
0x2bc: {  	v17 =	vadd.f32 v50, v48;
	v53 =	vpop (erf);
	v9 =	vadd.f32 v52, v9;
	v43 =	vmax.f32 v22, v29  }
0x2bd: {  	v31 =	vmax.f32 v31, v36;
	v30 =	vadd.f32 v32, v30;
	v54 =	vpop (erf);
	v39 =	vmax.f32 v63, v43  }
0x2be: {  	v55 =	vadd.f32 v54, v53;
	v17 =	vadd.f32 v9, v17;
	v9 =	vmax.f32 v31, v39  }
0x2bf: {  	v26 =	vsub.f32 v26, v9;
	v20 =	vsub.f32 v20, v9  }
0x2c0: {  	v27 =	vsub.f32 v27, v9;
	v24 =	vsub.f32 v24, v9  }
0x2c1: {  	v25 =	vsub.f32 v25, v9;
	v46 =	vsub.f32 v35, v9  }
0x2c2: {  	v61 =	vld [tilespmem:s5+$0xFFFFFFD0];
	v23 =	vsub.f32 v23, v9;
	v48 =	vsub.f32 v37, v9  }
0x2c3: {  	v18 =	vsub.f32 v49, v9;
	v51 =	vsub.f32 v51, v9;
	v26 =	vmul.f32 $1.442695020e+00, v26  }
0x2c4: {  	v58 =	vpop (erf);
	v22 =	vsub.f32 v22, v9;
	v20 =	vmul.f32 $1.442695020e+00, v20;
	v44 =	vmul.f32 $1.442695020e+00, v27  }
0x2c5: {  	v62 =	vpop (erf);
	v17 =	vadd.f32 v17, v30;
	v45 =	vmul.f32 $1.442695020e+00, v24;
	v25 =	vmul.f32 $1.442695020e+00, v25  }
0x2c6: {  	v49 =	vld [tilespmem:s1+$0xFFFFFFC0];
	v34 =	vadd.f32 v62, v58;
	v47 =	vmul.f32 $1.442695020e+00, v46;
	v23 =	vmul.f32 $1.442695020e+00, v23  }
0x2c7: {  	v30 =	vadd.s32 $0x80, v61;
	v50 =	vmul.f32 $1.442695020e+00, v48;
	(erf) = vpow2.f32 v26  }
0x2c8: {  	v18 =	vmul.f32 $1.442695020e+00, v18;
	v28 =	vadd.f32 v34, v55;
	(erf) = vpow2.f32 v20  }
0x2c9: {  	v54 =	vsub.f32 v29, v9;
	v53 =	vmul.f32 $1.442695020e+00, v51;
	(erf) = vpow2.f32 v44  }
0x2ca: {  	v56 =	vmul.f32 $1.442695020e+00, v22;
	v17 =	vadd.f32 v17, v28;
	(erf) = vpow2.f32 v45  }
0x2cb: {  	v61 =	vand.u32 $0x7FFFFFFF, v21;
	v24 =	vcvt.s32.f32 v49;
	(erf) = vpow2.f32 v25  }
0x2cc: {  	v59 =	vmul.f32 $1.442695020e+00, v54;
	v52 =	vld.idx.msk [tilespmem:v30+s18+$0x0], $0xffff;
	v55 =	vand.u32 $0x7FFFFF, v17;
	(erf) = vpow2.f32 v47  }
0x2cd: {  	v10 =	vmul.f32 v24, v10;
	v57 =	vor.u32 $0x3F800000, v55;
	(erf) = vpow2.f32 v23  }
0x2ce: {  	v17 =	vshra.s32 v17, $0x17;
	v22 =	vadd.f32 $-1.000000000e+00, v57;
	(erf) = vpow2.f32 v50  }
0x2cf: {  	v47 =	vmin.f32 v61, $1.000000000e+00;
	v17 =	vadd.s32 $0xFFFFFF81, v17;
	(erf) = vpow2.f32 v18  }
0x2d0: {  	v13 =	vadd.f32 v10, v16;
	v63 =	vmul.f32 v22, v22;
	v58 =	vpop (erf);
	(erf) = vpow2.f32 v53  }
0x2d1: {  	v39 =	vshll.u32 v52, $0xA;
	v38 =	vmul.f32 $1.000928970e-02, v22;
	v60 =	vpop (erf);
	(erf) = vpow2.f32 v56  }
0x2d2: {  	v23 =	vshll.u32 v52, $0x7;
	v41 =	vmul.f32 $1.308334320e-01, v22;
	v62 =	vpop (erf);
	(erf) = vpow2.f32 v59  }
0x2d3: {  	v27 =	vand.u32 $0xFFFFE000, v39;
	v44 =	vmul.f32 $9.999670980e-01, v22;
	v22 =	vmul.f32 $3.272257150e-01, v22;
	v40 =	vpop (erf)  }
0x2d4: {  	v30 =	vld.idx.msk [tilespmem:v30+s22+$0x0], $0xffff;
	v49 =	vmul.f32 $5.000000000e-01, v47;
	v23 =	vand.u32 $0x380, v23;
	v27 =	vadd.s32 v8, v27;
	v42 =	vpop (erf)  }
0x2d5: {  	v16 =	vld [tilespmem:s31+$0x260];
	v21 =	vadd.f32 $-5.243753640e-02, v38;
	v23 =	vor.u32 v23, v27;
	v22 =	vadd.f32 $-4.992850420e-01, v22;
	v43 =	vpop (erf)  }
0x2d6: {  	v57 =	vld [tilespmem:s5+$0xFFFFFFE0];
	v15 =	vsub.f32 v61, v47;
	v29 =	vadd.f32 $-2.231658700e-01, v41;
	v23 =	vor.u32 v4, v23;
	v45 =	vpop (erf)  }
0x2d7: {  	v18 =	vld [tilespmem:s31+$0x160];
	v33 =	vadd.f32 $2.554673130e-07, v44;
	v21 =	vmul.f32 v21, v63;
	v20 =	vmul.f32 v22, v63;
	v46 =	vpop (erf)  }
0x2d8: {  	v52 =	vmul.f32 v63, v63;
	v25 =	vadd.f32 v60, v58;
	v63 =	vld [tilespmem:s31+$0x360];
	v19 =	vadd.f32 v40, v62;
	v48 =	vpop (erf)  }
0x2d9: {  	v17 =	vcvt.s32.f32 v17;
	v22 =	vld [tilespmem:s31+$0x3E0];
	v21 =	vadd.f32 v21, v29;
	v20 =	vadd.f32 v20, v33;
	v50 =	vpop (erf)  }
0x2da: {  	v56 =	vmul.f32 v49, v47;
	v62 =	vld [tilespmem:s31+$0x2E0];
	v31 =	vadd.f32 v43, v42;
	v27 =	vadd.f32 v46, v45;
	v51 =	vpop (erf)  }
0x2db: {  	v19 =	vadd.f32 v19, v25;
	v54 =	vld.idx.msk [tilespmem:v23+s24+$0x0], $0xffff;
	v21 =	vmul.f32 v21, v52;
	v29 =	vadd.f32 v50, v48;
	v53 =	vpop (erf)  }
0x2dc: {  	v23 =	vld.idx.msk [tilespmem:v23+s25+$0x0], $0xffff;
	v55 =	vadd.f32 v27, v31;
	v28 =	vadd.f32 v53, v51  }
0x2dd: {  	v17 =	vmul.f32 $6.931471820e-01, v17;
	v15 =	vadd.f32 v56, v15;
	v25 =	vld [tilespmem:s31+$0x1E0];
	v58 =	vadd.f32 v21, v20  }
0x2de: {  	v45 =	vld [tilespmem:s31+$0x2160];
	v19 =	vadd.f32 v55, v19;
	v28 =	vadd.f32 v28, v29  }
0x2df: {  	v11 =	vadd.f32 v24, v11;
	v10 =	vmul.f32 $3.819718600e+00, v30;
	v20 =	vld [tilespmem:s31+$0x60];
	v17 =	vadd.f32 v58, v17  }
0x2e0: {  	v15 =	vmul.f32 v24, v15;
	v52 =	vmax.f32 v63, v22;
	v21 =	vld [tilespmem:s31+$0xE0];
	v19 =	vadd.f32 v19, v28  }
0x2e1: {  	v46 =	vld [tilespmem:s31+$0x21E0];
	v27 =	vadd.s32 $0x80, v57;
	v10 =	vsub.f32 v23, v10;
	v17 =	vadd.f32 v17, v12  }
0x2e2: {  	v50 =	vmax.f32 v18, v25;
	v12 =	vadd.f32 v15, v14;
	v59 =	vand.u32 $0x7FFFFF, v19  }
0x2e3: {  	v32 =	vld [tilespmem:s31+$0x20E0];
	v15 =	vsub.f32 v17, v54;
	v17 =	vand.u32 $0x7FFFFFFF, v10;
	v60 =	vor.u32 $0x3F800000, v59  }
0x2e4: {  	v51 =	vmax.f32 v16, v62;
	v29 =	vld [tilespmem:s31+$0x2060];
	v24 =	vmin.f32 v17, $1.000000000e+00;
	v61 =	vadd.f32 $-1.000000000e+00, v60  }
0x2e5: {  	v55 =	vmax.f32 v51, v52;
	v49 =	vmax.f32 v20, v21;
	v44 =	vmul.f32 $5.000000000e-01, v24  }
0x2e6: {  	v54 =	vmax.f32 v45, v46;
	v30 =	vmax.f32 v49, v50;
	v10 =	vmul.f32 $1.000928970e-02, v61  }
0x2e7: {  	v48 =	vld.idx.msk [tilespmem:v27+s18+$0x0], $0xffff;
	v30 =	vmax.f32 v30, v55;
	v19 =	vshra.s32 v19, $0x17;
	v33 =	vmul.f32 v44, v24  }
0x2e8: {  	v42 =	vmul.f32 v61, v61;
	v43 =	vmul.f32 $1.308334320e-01, v61;
	v10 =	vadd.f32 $-5.243753640e-02, v10  }
0x2e9: {  	v27 =	vld.idx.msk [tilespmem:v27+s22+$0x0], $0xffff;
	v19 =	vadd.s32 $0xFFFFFF81, v19;
	v53 =	vmax.f32 v29, v32;
	v41 =	vmul.f32 $3.272257150e-01, v61  }
0x2ea: {  	v19 =	vcvt.s32.f32 v19;
	v31 =	vadd.f32 $-2.231658700e-01, v43;
	v10 =	vmul.f32 v10, v42  }
0x2eb: {  	v56 =	vmax.f32 v53, v54;
	v23 =	vmul.f32 $9.999670980e-01, v61;
	v28 =	vadd.f32 $-4.992850420e-01, v41  }
0x2ec: {  	v58 =	vshll.u32 v48, $0xA;
	v47 =	vmul.f32 v42, v42;
	v10 =	vadd.f32 v10, v31  }
0x2ed: {  	v60 =	vshll.u32 v48, $0x7;
	v23 =	vadd.f32 $2.554673130e-07, v23;
	v28 =	vmul.f32 v28, v42  }
0x2ee: {  	v37 =	vld [tilespmem:s31+$0x70];
	v49 =	vmul.f32 $3.819718600e+00, v27;
	v57 =	vmul.f32 v10, v47;
	v10 =	vmax.f32 v30, v56  }
0x2ef: {  	v35 =	vld [tilespmem:s31+$0x2170];
	v59 =	vand.u32 $0xFFFFE000, v58;
	v23 =	vadd.f32 v28, v23;
	v20 =	vsub.f32 v20, v10  }
0x2f0: {  	v26 =	vld [tilespmem:s31+$0x270];
	v36 =	vand.u32 $0x380, v60;
	v21 =	vsub.f32 v21, v10;
	v18 =	vsub.f32 v18, v10  }
0x2f1: {  	v34 =	vld [tilespmem:s31+$0x20F0];
	v19 =	vmul.f32 $6.931471820e-01, v19;
	v25 =	vsub.f32 v25, v10;
	v16 =	vsub.f32 v16, v10  }
0x2f2: {  	v38 =	vld [tilespmem:s31+$0x170];
	v30 =	vadd.s32 v8, v59;
	v62 =	vsub.f32 v62, v10;
	v39 =	vsub.f32 v29, v10  }
0x2f3: {  	v30 =	vor.u32 v36, v30;
	v36 =	vld [tilespmem:s31+$0xF0];
	v41 =	vsub.f32 v32, v10;
	v43 =	vsub.f32 v45, v10  }
0x2f4: {  	v29 =	vld [tilespmem:s31+$0x3F0];
	v45 =	vsub.f32 v46, v10;
	v20 =	vmul.f32 $1.442695020e+00, v20;
	v21 =	vmul.f32 $1.442695020e+00, v21  }
0x2f5: {  	v32 =	vld [tilespmem:s31+$0x2070];
	v30 =	vor.u32 v5, v30;
	v18 =	vmul.f32 $1.442695020e+00, v18;
	v61 =	vmul.f32 $1.442695020e+00, v25  }
0x2f6: {  	v14 =	vsub.f32 v63, v10;
	v16 =	vmul.f32 $1.442695020e+00, v16;
	v63 =	vmul.f32 $1.442695020e+00, v62;
	v25 =	vld [tilespmem:s31+$0x370]  }
0x2f7: {  	v22 =	vsub.f32 v22, v10;
	v47 =	vmul.f32 $1.442695020e+00, v45;
	v45 =	vld [tilespmem:s1+$0xFFFFFFD0];
	(erf) = vpow2.f32 v20  }
0x2f8: {  	v17 =	vsub.f32 v17, v24;
	v14 =	vmul.f32 $1.442695020e+00, v14;
	v20 =	vld [tilespmem:s31+$0x1F0];
	(erf) = vpow2.f32 v21  }
0x2f9: {  	v48 =	vadd.f32 v57, v23;
	v40 =	vmul.f32 $1.442695020e+00, v22;
	(erf) = vpow2.f32 v18;
	v18 =	vld [tilespmem:s31+$0x2F0]  }
0x2fa: {  	v17 =	vadd.f32 v33, v17;
	v42 =	vmul.f32 $1.442695020e+00, v39;
	v50 =	vld.idx.msk [tilespmem:v30+s25+$0x0], $0xffff;
	(erf) = vpow2.f32 v61  }
0x2fb: {  	v44 =	vmul.f32 $1.442695020e+00, v41;
	v19 =	vadd.f32 v48, v19;
	(erf) = vpow2.f32 v16;
	v16 =	vld [tilespmem:s31+$0x21F0]  }
0x2fc: {  	v46 =	vmul.f32 $1.442695020e+00, v43;
	v53 =	vmax.f32 v37, v36;
	v59 =	vmax.f32 v32, v34  }
0x2fd: {  	v9 =	vadd.f32 v19, v9;
	(erf) = vpow2.f32 v63;
	v54 =	vmax.f32 v38, v20  }
0x2fe: {  	v57 =	vmax.f32 v25, v29;
	(erf) = vpow2.f32 v14;
	v14 =	vmax.f32 v53, v54  }
0x2ff: {  	(erf) = vpow2.f32 v40;
	v56 =	vmax.f32 v26, v18;
	v63 =	vsub.f32 v50, v49  }
0x300: {  	v50 =	vcvt.s32.f32 v45;
	v39 =	vmax.f32 v56, v57;
	v60 =	vmax.f32 v35, v16  }
0x301: {  	(erf) = vpow2.f32 v42;
	v51 =	vpop (erf);
	v14 =	vmax.f32 v14, v39;
	v61 =	vmax.f32 v59, v60  }
0x302: {  	(erf) = vpow2.f32 v44;
	v15 =	vmul.f32 v50, v15;
	v52 =	vpop (erf);
	v14 =	vmax.f32 v14, v61  }
0x303: {  	(erf) = vpow2.f32 v46;
	v27 =	vadd.f32 v52, v51;
	v42 =	vsub.f32 v37, v14  }
0x304: {  	(erf) = vpow2.f32 v47;
	v55 =	vpop (erf);
	v44 =	vsub.f32 v36, v14;
	v38 =	vsub.f32 v38, v14  }
0x305: {  	v22 =	vand.u32 $0x7FFFFFFF, v63;
	v58 =	vpop (erf);
	v20 =	vsub.f32 v20, v14;
	v26 =	vsub.f32 v26, v14  }
0x306: {  	v17 =	vmul.f32 v50, v17;
	v18 =	vsub.f32 v18, v14;
	v25 =	vsub.f32 v25, v14;
	v62 =	vpop (erf)  }
0x307: {  	v51 =	vsub.f32 v29, v14;
	v40 =	vpop (erf);
	v28 =	vmul.f32 $1.442695020e+00, v42;
	v31 =	vmul.f32 $1.442695020e+00, v44  }
0x308: {  	v52 =	vsub.f32 v32, v14;
	v38 =	vmul.f32 $1.442695020e+00, v38;
	v20 =	vmul.f32 $1.442695020e+00, v20;
	v41 =	vpop (erf)  }
0x309: {  	v54 =	vsub.f32 v34, v14;
	v26 =	vmul.f32 $1.442695020e+00, v26;
	v18 =	vmul.f32 $1.442695020e+00, v18;
	v43 =	vpop (erf)  }
0x30a: {  	v56 =	vsub.f32 v35, v14;
	v25 =	vmul.f32 $1.442695020e+00, v25;
	v53 =	vmul.f32 $1.442695020e+00, v51;
	v46 =	vpop (erf)  }
0x30b: {  	v57 =	vld [tilespmem:s5+$0xFFFFFFF0];
	v21 =	vadd.f32 v58, v55;
	v55 =	vmul.f32 $1.442695020e+00, v52;
	(erf) = vpow2.f32 v28;
	v47 =	vpop (erf)  }
0x30c: {  	v11 =	vadd.f32 v50, v11;
	v58 =	vmul.f32 $1.442695020e+00, v54;
	v48 =	vpop (erf);
	(erf) = vpow2.f32 v31  }
0x30d: {  	v13 =	vadd.f32 v15, v13;
	v60 =	vmul.f32 $1.442695020e+00, v56;
	v49 =	vpop (erf);
	(erf) = vpow2.f32 v38  }
0x30e: {  	v23 =	vadd.f32 v40, v62;
	v21 =	vadd.f32 v21, v27;
	(erf) = vpow2.f32 v20  }
0x30f: {  	v62 =	vmin.f32 v22, $1.000000000e+00;
	v24 =	vadd.f32 v43, v41;
	(erf) = vpow2.f32 v26  }
0x310: {  	v59 =	vld [tilespmem:s1+$0xFFFFFFE0];
	v41 =	vadd.s32 $0x80, v57;
	v33 =	vadd.f32 v47, v46;
	(erf) = vpow2.f32 v18  }
0x311: {  	v61 =	vld.idx.msk [tilespmem:v30+s24+$0x0], $0xffff;
	v23 =	vadd.f32 v24, v23;
	v28 =	vadd.f32 v49, v48;
	(erf) = vpow2.f32 v25  }
0x312: {  	v16 =	vsub.f32 v16, v14;
	v38 =	vmul.f32 $5.000000000e-01, v62;
	(erf) = vpow2.f32 v53  }
0x313: {  	v21 =	vadd.f32 v23, v21;
	v36 =	vadd.f32 v28, v33;
	(erf) = vpow2.f32 v55  }
0x314: {  	v16 =	vmul.f32 $1.442695020e+00, v16;
	v42 =	vld [tilespmem:s5+$0x0];
	v22 =	vsub.f32 v22, v62;
	v63 =	vpop (erf);
	(erf) = vpow2.f32 v58  }
0x315: {  	v15 =	vmul.f32 v38, v62;
	v50 =	vld.idx.msk [tilespmem:v41+s18+$0x0], $0xffff;
	v18 =	vadd.f32 v21, v36;
	v37 =	vpop (erf);
	(erf) = vpow2.f32 v60  }
0x316: {  	v9 =	vsub.f32 v9, v61;
	v26 =	vcvt.s32.f32 v59;
	v39 =	vpop (erf);
	(erf) = vpow2.f32 v16  }
0x317: {  	v15 =	vadd.f32 v15, v22;
	v45 =	vand.u32 $0x7FFFFF, v18;
	v40 =	vpop (erf)  }
0x318: {  	v12 =	vadd.f32 v17, v12;
	v9 =	vmul.f32 v26, v9;
	v47 =	vor.u32 $0x3F800000, v45;
	v43 =	vpop (erf)  }
0x319: {  	v21 =	vadd.s32 $0x80, v42;
	v15 =	vmul.f32 v26, v15;
	v17 =	vadd.f32 $-1.000000000e+00, v47;
	v44 =	vpop (erf)  }
0x31a: {  	v18 =	vshra.s32 v18, $0x17;
	v58 =	vshll.u32 v50, $0xA;
	v25 =	vshll.u32 v50, $0x7;
	v46 =	vpop (erf)  }
0x31b: {  	v18 =	vadd.s32 $0xFFFFFF81, v18;
	v23 =	vadd.f32 v37, v63;
	v52 =	vmul.f32 v17, v17;
	v48 =	vpop (erf)  }
0x31c: {  	v16 =	vadd.f32 v40, v39;
	v54 =	vmul.f32 $3.272257150e-01, v17;
	v57 =	vmul.f32 $9.999670980e-01, v17;
	v49 =	vpop (erf)  }
0x31d: {  	v60 =	vmul.f32 $1.308334320e-01, v17;
	v17 =	vmul.f32 $1.000928970e-02, v17;
	v27 =	vadd.f32 v44, v43;
	v51 =	vpop (erf)  }
0x31e: {  	v30 =	vand.u32 $0xFFFFE000, v58;
	v59 =	vld.idx.msk [tilespmem:v21+s18+$0x0], $0xffff;
	v16 =	vadd.f32 v16, v23;
	v22 =	vadd.f32 v48, v46;
	v53 =	vpop (erf)  }
0x31f: {  	v25 =	vand.u32 $0x380, v25;
	v17 =	vadd.f32 $-5.243753640e-02, v17;
	v20 =	vadd.f32 v51, v49;
	v56 =	vpop (erf)  }
0x320: {  	v61 =	vadd.s32 v8, v30;
	v22 =	vadd.f32 v22, v27;
	v29 =	vadd.f32 v56, v53  }
0x321: {  	v55 =	vmul.f32 v52, v52;
	v24 =	vadd.f32 $-4.992850420e-01, v54;
	v33 =	vadd.f32 $2.554673130e-07, v57  }
0x322: {  	v17 =	vmul.f32 v17, v52;
	v16 =	vadd.f32 v22, v16;
	v20 =	vadd.f32 v29, v20  }
0x323: {  	v63 =	vshll.u32 v59, $0xA;
	v23 =	vshll.u32 v59, $0x7;
	v22 =	vor.u32 v25, v61  }
0x324: {  	v36 =	vld.idx.msk [tilespmem:v41+s22+$0x0], $0xffff;
	v62 =	vor.u32 v6, v22;
	v22 =	vand.u32 $0xFFFFE000, v63;
	v16 =	vadd.f32 v16, v20  }
0x325: {  	v30 =	vand.u32 $0x380, v23;
	v27 =	vadd.f32 $-2.231658700e-01, v60;
	v8 =	vadd.s32 v8, v22  }
0x326: {  	v21 =	vld.idx.msk [tilespmem:v21+s22+$0x0], $0xffff;
	v34 =	vmul.f32 v24, v52;
	v8 =	vor.u32 v30, v8;
	v29 =	vand.u32 $0x7FFFFF, v16  }
0x327: {  	v17 =	vadd.f32 v17, v27;
	v8 =	vor.u32 v7, v8;
	v25 =	vor.u32 $0x3F800000, v29  }
0x328: {  	v9 =	vadd.f32 v9, v13;
	v35 =	vcvt.s32.f32 v18;
	v25 =	vadd.f32 $-1.000000000e+00, v25  }
0x329: {  	v18 =	vmul.f32 $3.819718600e+00, v36;
	v22 =	vadd.f32 v34, v33;
	v17 =	vmul.f32 v17, v55  }
0x32a: {  	v12 =	vadd.f32 v15, v12;
	v13 =	vmul.f32 $6.931471820e-01, v35;
	v38 =	vld.idx.msk [tilespmem:v62+s25+$0x0], $0xffff;
	v37 =	vmul.f32 $1.000928970e-02, v25  }
0x32b: {  	v21 =	vmul.f32 $3.819718600e+00, v21;
	v17 =	vadd.f32 v17, v22;
	v39 =	vmul.f32 v25, v25  }
0x32c: {  	v45 =	vld.idx.msk [tilespmem:v8+s25+$0x0], $0xffff;
	v40 =	vmul.f32 $3.272257150e-01, v25;
	v41 =	vmul.f32 $1.308334320e-01, v25;
	v19 =	vadd.f32 $-5.243753640e-02, v37  }
0x32d: {  	v16 =	vshra.s32 v16, $0x17;
	v13 =	vadd.f32 v17, v13;
	v42 =	vmul.f32 $9.999670980e-01, v25  }
0x32e: {  	v43 =	vadd.f32 $-4.992850420e-01, v40;
	v44 =	vadd.f32 $-2.231658700e-01, v41;
	v19 =	vmul.f32 v19, v39  }
0x32f: {  	v16 =	vadd.s32 $0xFFFFFF81, v16;
	v18 =	vsub.f32 v38, v18;
	v46 =	vmul.f32 v39, v39  }
0x330: {  	v47 =	vld [tilespmem:s1+$0xFFFFFFF0];
	v22 =	vadd.f32 $2.554673130e-07, v42;
	v24 =	vmul.f32 v43, v39;
	v19 =	vadd.f32 v19, v44  }
0x331: {  	v48 =	vld.idx.msk [tilespmem:v62+s24+$0x0], $0xffff;
	v16 =	vcvt.s32.f32 v16;
	v18 =	vand.u32 $0x7FFFFFFF, v18;
	v49 =	vsub.f32 v45, v21  }
0x332: {  	v50 =	vmin.f32 v18, $1.000000000e+00;
	v22 =	vadd.f32 v24, v22;
	v19 =	vmul.f32 v19, v46  }
0x333: {  	v51 =	vld [tilespmem:s1+$0x0];
	v10 =	vadd.f32 v13, v10;
	v52 =	vmul.f32 $5.000000000e-01, v50;
	v20 =	vand.u32 $0x7FFFFFFF, v49  }
0x334: {  	v16 =	vmul.f32 $6.931471820e-01, v16;
	v54 =	vmin.f32 v20, $1.000000000e+00;
	v19 =	vadd.f32 v19, v22  }
0x335: {  	v8 =	vld.idx.msk [tilespmem:v8+s24+$0x0], $0xffff;
	v18 =	vsub.f32 v18, v50;
	v15 =	vmul.f32 v52, v50;
	v55 =	vmul.f32 $5.000000000e-01, v54  }
0x336: {  	v56 =	vcvt.s32.f32 v47;
	v10 =	vsub.f32 v10, v48;
	v53 =	vadd.f32 v19, v16  }
0x337: {  	v57 =	vadd.f32 v15, v18;
	v58 =	vmul.f32 v55, v54;
	v16 =	vsub.f32 v20, v54  }
0x338: {  	s30 =	sadd.s32 $0x8, s30;
	v59 =	vcvt.s32.f32 v51;
	v13 =	vadd.f32 v53, v14  }
0x339: {  	p0 =	slt.u32 s30, $0x38;
	v10 =	vmul.f32 v56, v10;
	v60 =	vmul.f32 v56, v57;
	v61 =	vadd.f32 v58, v16  }
.Ltmp1:
0x33a: {  	v11 =	vadd.f32 v26, v11;
	v8 =	vsub.f32 v13, v8;
	(pc) =	sbr.rel @p0 .LBB2_4-.Ltmp1, $4  }
0x33b: {  	v9 =	vadd.f32 v10, v9;
	v10 =	vadd.f32 v60, v12;
	v63 =	vmul.f32 v59, v61  }
0x33c: {  	v62 =	vadd.f32 v56, v11;
	v8 =	vmul.f32 v59, v8  }
0x33d: {  	s0 =	sadd.s32 $0x80, s0;
	v10 =	vadd.f32 v63, v10  }
0x33e: {  	s31 =	sadd.s32 $0x400, s31;
	s5 =	sadd.s32 $0x100, s5;
	s1 =	sadd.s32 $0x100, s1;
	v11 =	vadd.f32 v8, v9;
	v9 =	vadd.f32 v59, v62  }
0x33f: {  	[tilespmem:$0x11210] =	vst v10  }
0x340: {  	[tilespmem:$0x11200] =	vst v11  }
0x341: {  	s0 =	rddreg [dreg:$0xc];
	s1 =	simm.s32 $0x11200;
	[tilespmem:$0x11220] =	vst v9  }
0x342: {  	[hbm4b:s0+s2] =	stream.linear.scatter [tilespmem:s1], [sflag:$0x3], $0x80, $0x38;
	[tilespmem:$0x11280] =	vst v63  }
0x343: {  	_ =	swait.ge [sflag:s21], $0x80  }
0x344: {  	s29 =	sadd.s32 $0x1, s29;
	s31 =	rddreg [dreg:$0xd]  }
0x345: {  	p0 =	sne.s32 s29, s31  }
.Ltmp2:
0x346: {  	_ = 	snop;
	(pc) =	sbr.rel @p0 .LBB2_1-.Ltmp2, $3  }
0x347: {  	_ =	sdelay $0x1  }
0x348: {  	[sflag:s21] =	ssyncset.done $0x0  }
0x349: {  	[sflag:s21] =	ssyncadd.s32 $0xFFFFFF80  }
0x34a: {  	_ =	sfence.sel $0x180000  }
0x34b: {  	[bflag:$0x0] =	sbarrier.arrive $0xFFFF  }
0x34c: {  	_ =	strace $0x90000047  }
0x34d: {  	s0 =	stileid.u32;
	[bflag:$0x2] =	sbarrier.arrive $0xFFFF  }
0x34e: {  	p0 =	sne.s32 s0, $0x0;
	s0 =	rddreg [dreg:$0x7]  }
0x34f: {  	s0 =	sadd.s32 @!p0 $0x100000, s0  }
0x350: {  	[sflag:s0] =	ssyncadd.tile.s32 @!p0 $0x1;
	_ =	shalt  }
.Lfunc_end2:
_tile_overlayer_lowered:
.L_overlay_start_2:
0x351: {  	(tag) =	ssettag $0x2  }
0x352: {  	s0 =	rddreg [dreg:$0x0];
	s2 =	stileid.u32  }
0x353: {  	s1 =	rddreg [dreg:$0x1];
	p0 =	sne.s32 s2, $0x0  }
0x354: {  	s3 =	rddreg [dreg:$0x2];
	[bflag:$0x3] =	sbarrier.arrive $0xFFFF;
	s2 =	simm.s32 @!p0 $0x1C03  }
0x355: {  	[timem:s3], [sflag:s2] =	dma.local @!p0 [hbm:s0], s1  }
0x356: {  	s0 =	simm.s32 @!p0 $0x3  }
0x357: {  	_ =	swait.ge @!p0 [sflag:s0], s1  }
0x358: {  	s1 =	ssub.s32 @!p0 $0x0, s1;
	[sflag:s0] =	ssyncset.done @!p0 $0x0  }
0x359: {  	[sflag:s0] =	ssyncadd.s32 @!p0 s1  }
0x35a: {  	[bflag:$0x3] =	sbarrier.arrive $0xFFFF  }
0x35b: {  	_ =	shalt  }

</sc_bundles>
